<compile_context>
chip_gen: v7x
topology: tpu7x:2x2x1
jax: 0.10.2.dev20260603
libtpu: 0.0.44.dev20260713+nightly
codegen_flags: <defaults>
</compile_context>

<pallas_src>
import jax
import jax.numpy as jnp
from jax import lax
from jax.experimental import pallas as pl
from jax.experimental.pallas import tpu as pltpu
from jax.experimental.pallas import tpu_sc as plsc

B = 16384
D = 64
V = 1_000_000
VB = 128
NB_TOT = (V + VB - 1) // VB
NC = 2
NS = 16
NW = NC * NS
NBW = (NB_TOT + NW - 1) // NW
CAP = 16
L = 16
NBUF = 8


def _lane(v, i):
    sel = jnp.where(lax.iota(jnp.int32, L) == i, v, 0)
    return lax.reduce_max(sel, (0,))


def _body(ids_hbm, table_hbm, out_hbm, aid_v, bk_ids, bk_pos, cnt_v,
          blk, rb, gsem, osem):
    wid = lax.axis_index("s") * NC + lax.axis_index("c")
    lo = wid * NBW
    hi = jnp.minimum(lo + NBW, NB_TOT)
    nb = hi - lo
    iota = lax.iota(jnp.int32, L)

    def fire(j):
        off = pl.multiple_of((lo + j) * VB, VB)
        pltpu.async_copy(table_hbm.at[:, pl.ds(off, VB)],
                         blk.at[j & (NBUF - 1)], gsem.at[j & (NBUF - 1)])
        return None

    for jj in range(NBUF - 1):
        fire(jj)

    pltpu.sync_copy(ids_hbm, aid_v)

    def zero(i, carry):
        cnt_v[pl.ds(i * L, L)] = jnp.zeros((L,), jnp.int32)
        return carry
    lax.fori_loop(0, 256 // L, zero, 0)

    def scan(g, carry):
        v = aid_v[pl.ds(g * L, L)]
        b = lax.shift_right_logical(v, 7)
        m = (b >= lo) & (b < hi)

        lbc = (b - lo) & 255
        dup, last = plsc.scan_count(lbc, m)
        cur = plsc.load_gather(cnt_v, [lbc], mask=m)
        slot = (cur + dup - 1) & (CAP - 1)
        addr = lbc * CAP + slot
        plsc.store_scatter(bk_ids, [addr], v, mask=m)
        plsc.store_scatter(bk_pos, [addr], g * L + iota, mask=m)
        plsc.addupdate_scatter(cnt_v, [lbc], dup, mask=m & last)
        return carry
    lax.fori_loop(0, B // L, scan, 0)

    cidx = [cc * L + iota for cc in range(D // L)]

    def blkcnt(j):
        return _lane(cnt_v[pl.ds((j >> 4) * L, L)], j & (L - 1))

    def slab_wait(j):
        pltpu.make_async_copy(
            table_hbm.at[:, pl.ds(0, VB)], blk.at[j & (NBUF - 1)],
            gsem.at[j & (NBUF - 1)]).wait()
        return None

    def row_drain(par, n):
        def w(i, carry):
            pltpu.make_async_copy(
                out_hbm.at[pl.ds(0, D)], rb.at[par, 0], osem.at[par]).wait()
            return carry
        lax.fori_loop(0, n, w, 0)

    def per_block(j, carry):
        par = j & 1
        pl.when((j + NBUF - 1 < nb) & (blkcnt(j + NBUF - 1) > 0))(
            lambda: fire(j + NBUF - 1))
        n = blkcnt(j)
        pl.when((j < NBUF - 1) | (n > 0))(lambda: slab_wait(j))
        pl.when(j >= 2)(lambda: row_drain(par, blkcnt(j - 2)))

        def process():
            bi = j & (NBUF - 1)
            v_id = bk_ids[pl.ds(j * CAP, CAP)]
            v_pos = bk_pos[pl.ds(j * CAP, CAP)]
            v_l = v_id & (VB - 1)

            def per_id(i, carry):
                spl = jnp.full((L,), _lane(v_l, i), jnp.int32)
                k = _lane(v_pos, i)
                for cc in range(D // L):
                    rb[par, i, pl.ds(cc * L, L)] = plsc.load_gather(
                        blk.at[bi], [cidx[cc], spl])
                dst = out_hbm.at[pl.ds(pl.multiple_of(k * D, D), D)]
                pltpu.async_copy(rb.at[par, i], dst, osem.at[par])
                return carry
            lax.fori_loop(0, n, per_id, 0)
        pl.when(n > 0)(process)
        return carry

    lax.fori_loop(0, nb, per_block, 0)

    row_drain(nb & 1, blkcnt(nb - 2))
    row_drain((nb - 1) & 1, blkcnt(nb - 1))


@jax.jit
def kernel(ids, embedding):
    ids_flat = jnp.reshape(ids, (B,)).astype(jnp.int32)
    table_t = jnp.transpose(embedding)
    run = pl.kernel(
        _body,
        out_type=jax.ShapeDtypeStruct((B * D,), jnp.float32),
        mesh=plsc.VectorSubcoreMesh(core_axis_name="c", subcore_axis_name="s"),
        scratch_types=[
            pltpu.VMEM((B,), jnp.int32),
            pltpu.VMEM((4096,), jnp.int32),
            pltpu.VMEM((4096,), jnp.int32),
            pltpu.VMEM((256,), jnp.int32),
            pltpu.VMEM((NBUF, D, VB), jnp.float32),
            pltpu.VMEM((2, CAP, D), jnp.float32),
            pltpu.SemaphoreType.DMA((NBUF,)),
            pltpu.SemaphoreType.DMA((2,)),
        ],
        compiler_params=pltpu.CompilerParams(
            use_tc_tiling_on_sc=True, needs_layout_passes=False),
    )
    return jnp.reshape(run(ids_flat, table_t), (B, D))

# --- scband reference (transcript-rebuilt; emitter-appended) ---
"""Pipeline reference for scband-embedding-11029476016802 (READ-ONLY COPY).

The authoritative reference and input builder live on the scoring server;
editing this copy changes nothing except your own understanding.
"""

import jax, jax.numpy as jnp
import numpy as np


def setup_inputs(seed: int = 0) -> dict:
    key = jax.random.key(seed)
    k_ids, k_emb = jax.random.split(key)
    ids = jax.random.randint(k_ids, (16384, 1), 0, 1000000, dtype=jnp.int64 if jax.config.jax_enable_x64 else jnp.int32)
    # Embedding table per init_kwargs: vocab_size=1000000, hidden_size=64
    # Original uses uniform(-0.1, 0.1) initializer
    embedding = jax.random.uniform(k_emb, (1000000, 64), dtype=jnp.float32, minval=-0.1, maxval=0.1)
    return {"ids": ids, "embedding": embedding}


def reference(ids, embedding):
    # Faithful translation of the module's _link:
    #   assert ids is 2-D with trailing dim 1, reshape to [-1], then embedding_lookup
    flat_ids = jnp.reshape(ids, (-1,))
    inputs = jnp.take(embedding, flat_ids, axis=0)
    return inputs

if __name__ == "__main__":
    import jax
    _d = setup_inputs()
    print(jax.jit(kernel)(*tuple(_d.values())))

</pallas_src>

<mosaic_0001>
#map = affine_map<(d0, d1) -> (0)>
#map1 = affine_map<(d0, d1) -> (0, 0)>
module attributes {stable_mosaic.version = 14 : i64} {
  func.func @_body(%arg0: i32, %arg1: i32, %arg2: memref<16384xi32, #tpu.memory_space<hbm>>, %arg3: memref<64x1000000xf32, #tpu.memory_space<hbm>>, %arg4: memref<1048576xf32, #tpu.memory_space<hbm>>, %arg5: memref<16384xi32, #tpu.memory_space<vmem>>, %arg6: memref<4096xi32, #tpu.memory_space<vmem>>, %arg7: memref<4096xi32, #tpu.memory_space<vmem>>, %arg8: memref<256xi32, #tpu.memory_space<vmem>>, %arg9: memref<8x64x128xf32, #tpu.memory_space<vmem>>, %arg10: memref<2x16x64xf32, #tpu.memory_space<vmem>>, %arg11: memref<8x!tpu.dma_semaphore, #tpu.memory_space<semaphore_mem>>, %arg12: memref<2x!tpu.dma_semaphore, #tpu.memory_space<semaphore_mem>>) attributes {dimension_semantics = [#tpu.dimension_semantics<core_parallel>, #tpu.dimension_semantics<subcore_parallel>], iteration_bounds = array<i64: 2, 16>, scalar_prefetch = 0 : i64, scratch_operands = 8 : i64, tpu.core_type = #tpu.core_type<sc_vector_subcore>, window_params = [{transform_indices = #map}, {transform_indices = #map1}, {transform_indices = #map}]} {
    %mul3A = arith.constant 2 : i32
    %mul3A_0 = arith.muli %arg1, %mul3A : i32
    %add3A = arith.addi %mul3A_0, %arg0 : i32
    %mul3A_1 = arith.constant 245 : i32
    %mul3A_2 = arith.muli %add3A, %mul3A_1 : i32
    %add3A_3 = arith.constant 245 : i32
    %add3A_4 = arith.addi %mul3A_2, %add3A_3 : i32
    %min3A = arith.constant 7813 : i32
    %min3A_5 = arith.minsi %add3A_4, %min3A : i32
    %sub3A = arith.subi %min3A_5, %mul3A_2 : i32
    %iota3A = tpu.iota {dimensions = array<i32: 0>} : vector<16xi32>
    %add3A_6 = arith.constant 0 : i32
    %add3A_7 = arith.addi %mul3A_2, %add3A_6 : i32
    %mul3A_8 = arith.constant 128 : i32
    %mul3A_9 = arith.muli %add3A_7, %mul3A_8 : i32
    %multiple_of3A = tpu.assume_multiple %mul3A_9, 128 : i32
    %dma_start3A = arith.constant 0 : i32
    %dma_start3A_10 = arith.constant 0 : i32
    %dma_start3A_11 = arith.constant 0 : i32
    %dma_start3A_12 = arith.constant 0 : i32
    %dma_start3A_13 = tpu.memref_slice %arg9[%dma_start3A, %dma_start3A_11, %dma_start3A_12] : memref<8x64x128xf32, #tpu.memory_space<vmem>> -> memref<1x64x128xf32, #tpu.memory_space<vmem>>
    %dma_start3A_14 = tpu.memref_squeeze %dma_start3A_13 : memref<1x64x128xf32, #tpu.memory_space<vmem>> -> memref<64x128xf32, #tpu.memory_space<vmem>>
    %dma_start3A_15 = arith.constant 0 : i32
    %dma_start3A_16 = tpu.memref_slice %arg3[%dma_start3A_15, %multiple_of3A] : memref<64x1000000xf32, #tpu.memory_space<hbm>> -> memref<64x128xf32, #tpu.memory_space<hbm>>
    %dma_start3A_17 = tpu.memref_slice %arg11[%dma_start3A_10] : memref<8x!tpu.dma_semaphore, #tpu.memory_space<semaphore_mem>> -> memref<1x!tpu.dma_semaphore, #tpu.memory_space<semaphore_mem>>
    %dma_start3A_18 = tpu.memref_squeeze %dma_start3A_17 : memref<1x!tpu.dma_semaphore, #tpu.memory_space<semaphore_mem>> -> memref<!tpu.dma_semaphore, #tpu.memory_space<semaphore_mem>>
    %dma_start3A_19 = arith.constant 0 : i32
    %dma_start3A_20 = arith.constant 0 : i32
    %dma_start3A_21 = tpu.memref_slice %arg9[%dma_start3A, %dma_start3A_19, %dma_start3A_20] : memref<8x64x128xf32, #tpu.memory_space<vmem>> -> memref<1x64x128xf32, #tpu.memory_space<vmem>>
    %dma_start3A_22 = tpu.memref_squeeze %dma_start3A_21 : memref<1x64x128xf32, #tpu.memory_space<vmem>> -> memref<64x128xf32, #tpu.memory_space<vmem>>
    %dma_start3A_23 = arith.constant 0 : i32
    %dma_start3A_24 = tpu.memref_slice %arg3[%dma_start3A_23, %multiple_of3A] : memref<64x1000000xf32, #tpu.memory_space<hbm>> -> memref<64x128xf32, #tpu.memory_space<hbm>>
    tpu.enqueue_dma source(%dma_start3A_24 : memref<64x128xf32, #tpu.memory_space<hbm>>) target(%dma_start3A_22 : memref<64x128xf32, #tpu.memory_space<vmem>>) target_semaphore(%dma_start3A_18 : memref<!tpu.dma_semaphore, #tpu.memory_space<semaphore_mem>>)
    %add3A_25 = arith.constant 1 : i32
    %add3A_26 = arith.addi %mul3A_2, %add3A_25 : i32
    %mul3A_27 = arith.constant 128 : i32
    %mul3A_28 = arith.muli %add3A_26, %mul3A_27 : i32
    %multiple_of3A_29 = tpu.assume_multiple %mul3A_28, 128 : i32
    %dma_start3A_30 = arith.constant 1 : i32
    %dma_start3A_31 = arith.constant 1 : i32
    %dma_start3A_32 = arith.constant 0 : i32
    %dma_start3A_33 = arith.constant 0 : i32
    %dma_start3A_34 = tpu.memref_slice %arg9[%dma_start3A_30, %dma_start3A_32, %dma_start3A_33] : memref<8x64x128xf32, #tpu.memory_space<vmem>> -> memref<1x64x128xf32, #tpu.memory_space<vmem>>
    %dma_start3A_35 = tpu.memref_squeeze %dma_start3A_34 : memref<1x64x128xf32, #tpu.memory_space<vmem>> -> memref<64x128xf32, #tpu.memory_space<vmem>>
    %dma_start3A_36 = arith.constant 0 : i32
    %dma_start3A_37 = tpu.memref_slice %arg3[%dma_start3A_36, %multiple_of3A_29] : memref<64x1000000xf32, #tpu.memory_space<hbm>> -> memref<64x128xf32, #tpu.memory_space<hbm>>
    %dma_start3A_38 = tpu.memref_slice %arg11[%dma_start3A_31] : memref<8x!tpu.dma_semaphore, #tpu.memory_space<semaphore_mem>> -> memref<1x!tpu.dma_semaphore, #tpu.memory_space<semaphore_mem>>
    %dma_start3A_39 = tpu.memref_squeeze %dma_start3A_38 : memref<1x!tpu.dma_semaphore, #tpu.memory_space<semaphore_mem>> -> memref<!tpu.dma_semaphore, #tpu.memory_space<semaphore_mem>>
    %dma_start3A_40 = arith.constant 0 : i32
    %dma_start3A_41 = arith.constant 0 : i32
    %dma_start3A_42 = tpu.memref_slice %arg9[%dma_start3A_30, %dma_start3A_40, %dma_start3A_41] : memref<8x64x128xf32, #tpu.memory_space<vmem>> -> memref<1x64x128xf32, #tpu.memory_space<vmem>>
    %dma_start3A_43 = tpu.memref_squeeze %dma_start3A_42 : memref<1x64x128xf32, #tpu.memory_space<vmem>> -> memref<64x128xf32, #tpu.memory_space<vmem>>
    %dma_start3A_44 = arith.constant 0 : i32
    %dma_start3A_45 = tpu.memref_slice %arg3[%dma_start3A_44, %multiple_of3A_29] : memref<64x1000000xf32, #tpu.memory_space<hbm>> -> memref<64x128xf32, #tpu.memory_space<hbm>>
    tpu.enqueue_dma source(%dma_start3A_45 : memref<64x128xf32, #tpu.memory_space<hbm>>) target(%dma_start3A_43 : memref<64x128xf32, #tpu.memory_space<vmem>>) target_semaphore(%dma_start3A_39 : memref<!tpu.dma_semaphore, #tpu.memory_space<semaphore_mem>>)
    %add3A_46 = arith.constant 2 : i32
    %add3A_47 = arith.addi %mul3A_2, %add3A_46 : i32
    %mul3A_48 = arith.constant 128 : i32
    %mul3A_49 = arith.muli %add3A_47, %mul3A_48 : i32
    %multiple_of3A_50 = tpu.assume_multiple %mul3A_49, 128 : i32
    %dma_start3A_51 = arith.constant 2 : i32
    %dma_start3A_52 = arith.constant 2 : i32
    %dma_start3A_53 = arith.constant 0 : i32
    %dma_start3A_54 = arith.constant 0 : i32
    %dma_start3A_55 = tpu.memref_slice %arg9[%dma_start3A_51, %dma_start3A_53, %dma_start3A_54] : memref<8x64x128xf32, #tpu.memory_space<vmem>> -> memref<1x64x128xf32, #tpu.memory_space<vmem>>
    %dma_start3A_56 = tpu.memref_squeeze %dma_start3A_55 : memref<1x64x128xf32, #tpu.memory_space<vmem>> -> memref<64x128xf32, #tpu.memory_space<vmem>>
    %dma_start3A_57 = arith.constant 0 : i32
    %dma_start3A_58 = tpu.memref_slice %arg3[%dma_start3A_57, %multiple_of3A_50] : memref<64x1000000xf32, #tpu.memory_space<hbm>> -> memref<64x128xf32, #tpu.memory_space<hbm>>
    %dma_start3A_59 = tpu.memref_slice %arg11[%dma_start3A_52] : memref<8x!tpu.dma_semaphore, #tpu.memory_space<semaphore_mem>> -> memref<1x!tpu.dma_semaphore, #tpu.memory_space<semaphore_mem>>
    %dma_start3A_60 = tpu.memref_squeeze %dma_start3A_59 : memref<1x!tpu.dma_semaphore, #tpu.memory_space<semaphore_mem>> -> memref<!tpu.dma_semaphore, #tpu.memory_space<semaphore_mem>>
    %dma_start3A_61 = arith.constant 0 : i32
    %dma_start3A_62 = arith.constant 0 : i32
    %dma_start3A_63 = tpu.memref_slice %arg9[%dma_start3A_51, %dma_start3A_61, %dma_start3A_62] : memref<8x64x128xf32, #tpu.memory_space<vmem>> -> memref<1x64x128xf32, #tpu.memory_space<vmem>>
    %dma_start3A_64 = tpu.memref_squeeze %dma_start3A_63 : memref<1x64x128xf32, #tpu.memory_space<vmem>> -> memref<64x128xf32, #tpu.memory_space<vmem>>
    %dma_start3A_65 = arith.constant 0 : i32
    %dma_start3A_66 = tpu.memref_slice %arg3[%dma_start3A_65, %multiple_of3A_50] : memref<64x1000000xf32, #tpu.memory_space<hbm>> -> memref<64x128xf32, #tpu.memory_space<hbm>>
    tpu.enqueue_dma source(%dma_start3A_66 : memref<64x128xf32, #tpu.memory_space<hbm>>) target(%dma_start3A_64 : memref<64x128xf32, #tpu.memory_space<vmem>>) target_semaphore(%dma_start3A_60 : memref<!tpu.dma_semaphore, #tpu.memory_space<semaphore_mem>>)
    %add3A_67 = arith.constant 3 : i32
    %add3A_68 = arith.addi %mul3A_2, %add3A_67 : i32
    %mul3A_69 = arith.constant 128 : i32
    %mul3A_70 = arith.muli %add3A_68, %mul3A_69 : i32
    %multiple_of3A_71 = tpu.assume_multiple %mul3A_70, 128 : i32
    %dma_start3A_72 = arith.constant 3 : i32
    %dma_start3A_73 = arith.constant 3 : i32
    %dma_start3A_74 = arith.constant 0 : i32
    %dma_start3A_75 = arith.constant 0 : i32
    %dma_start3A_76 = tpu.memref_slice %arg9[%dma_start3A_72, %dma_start3A_74, %dma_start3A_75] : memref<8x64x128xf32, #tpu.memory_space<vmem>> -> memref<1x64x128xf32, #tpu.memory_space<vmem>>
    %dma_start3A_77 = tpu.memref_squeeze %dma_start3A_76 : memref<1x64x128xf32, #tpu.memory_space<vmem>> -> memref<64x128xf32, #tpu.memory_space<vmem>>
    %dma_start3A_78 = arith.constant 0 : i32
    %dma_start3A_79 = tpu.memref_slice %arg3[%dma_start3A_78, %multiple_of3A_71] : memref<64x1000000xf32, #tpu.memory_space<hbm>> -> memref<64x128xf32, #tpu.memory_space<hbm>>
    %dma_start3A_80 = tpu.memref_slice %arg11[%dma_start3A_73] : memref<8x!tpu.dma_semaphore, #tpu.memory_space<semaphore_mem>> -> memref<1x!tpu.dma_semaphore, #tpu.memory_space<semaphore_mem>>
    %dma_start3A_81 = tpu.memref_squeeze %dma_start3A_80 : memref<1x!tpu.dma_semaphore, #tpu.memory_space<semaphore_mem>> -> memref<!tpu.dma_semaphore, #tpu.memory_space<semaphore_mem>>
    %dma_start3A_82 = arith.constant 0 : i32
    %dma_start3A_83 = arith.constant 0 : i32
    %dma_start3A_84 = tpu.memref_slice %arg9[%dma_start3A_72, %dma_start3A_82, %dma_start3A_83] : memref<8x64x128xf32, #tpu.memory_space<vmem>> -> memref<1x64x128xf32, #tpu.memory_space<vmem>>
    %dma_start3A_85 = tpu.memref_squeeze %dma_start3A_84 : memref<1x64x128xf32, #tpu.memory_space<vmem>> -> memref<64x128xf32, #tpu.memory_space<vmem>>
    %dma_start3A_86 = arith.constant 0 : i32
    %dma_start3A_87 = tpu.memref_slice %arg3[%dma_start3A_86, %multiple_of3A_71] : memref<64x1000000xf32, #tpu.memory_space<hbm>> -> memref<64x128xf32, #tpu.memory_space<hbm>>
    tpu.enqueue_dma source(%dma_start3A_87 : memref<64x128xf32, #tpu.memory_space<hbm>>) target(%dma_start3A_85 : memref<64x128xf32, #tpu.memory_space<vmem>>) target_semaphore(%dma_start3A_81 : memref<!tpu.dma_semaphore, #tpu.memory_space<semaphore_mem>>)
    %add3A_88 = arith.constant 4 : i32
    %add3A_89 = arith.addi %mul3A_2, %add3A_88 : i32
    %mul3A_90 = arith.constant 128 : i32
    %mul3A_91 = arith.muli %add3A_89, %mul3A_90 : i32
    %multiple_of3A_92 = tpu.assume_multiple %mul3A_91, 128 : i32
    %dma_start3A_93 = arith.constant 4 : i32
    %dma_start3A_94 = arith.constant 4 : i32
    %dma_start3A_95 = arith.constant 0 : i32
    %dma_start3A_96 = arith.constant 0 : i32
    %dma_start3A_97 = tpu.memref_slice %arg9[%dma_start3A_93, %dma_start3A_95, %dma_start3A_96] : memref<8x64x128xf32, #tpu.memory_space<vmem>> -> memref<1x64x128xf32, #tpu.memory_space<vmem>>
    %dma_start3A_98 = tpu.memref_squeeze %dma_start3A_97 : memref<1x64x128xf32, #tpu.memory_space<vmem>> -> memref<64x128xf32, #tpu.memory_space<vmem>>
    %dma_start3A_99 = arith.constant 0 : i32
    %dma_start3A_100 = tpu.memref_slice %arg3[%dma_start3A_99, %multiple_of3A_92] : memref<64x1000000xf32, #tpu.memory_space<hbm>> -> memref<64x128xf32, #tpu.memory_space<hbm>>
    %dma_start3A_101 = tpu.memref_slice %arg11[%dma_start3A_94] : memref<8x!tpu.dma_semaphore, #tpu.memory_space<semaphore_mem>> -> memref<1x!tpu.dma_semaphore, #tpu.memory_space<semaphore_mem>>
    %dma_start3A_102 = tpu.memref_squeeze %dma_start3A_101 : memref<1x!tpu.dma_semaphore, #tpu.memory_space<semaphore_mem>> -> memref<!tpu.dma_semaphore, #tpu.memory_space<semaphore_mem>>
    %dma_start3A_103 = arith.constant 0 : i32
    %dma_start3A_104 = arith.constant 0 : i32
    %dma_start3A_105 = tpu.memref_slice %arg9[%dma_start3A_93, %dma_start3A_103, %dma_start3A_104] : memref<8x64x128xf32, #tpu.memory_space<vmem>> -> memref<1x64x128xf32, #tpu.memory_space<vmem>>
    %dma_start3A_106 = tpu.memref_squeeze %dma_start3A_105 : memref<1x64x128xf32, #tpu.memory_space<vmem>> -> memref<64x128xf32, #tpu.memory_space<vmem>>
    %dma_start3A_107 = arith.constant 0 : i32
    %dma_start3A_108 = tpu.memref_slice %arg3[%dma_start3A_107, %multiple_of3A_92] : memref<64x1000000xf32, #tpu.memory_space<hbm>> -> memref<64x128xf32, #tpu.memory_space<hbm>>
    tpu.enqueue_dma source(%dma_start3A_108 : memref<64x128xf32, #tpu.memory_space<hbm>>) target(%dma_start3A_106 : memref<64x128xf32, #tpu.memory_space<vmem>>) target_semaphore(%dma_start3A_102 : memref<!tpu.dma_semaphore, #tpu.memory_space<semaphore_mem>>)
    %add3A_109 = arith.constant 5 : i32
    %add3A_110 = arith.addi %mul3A_2, %add3A_109 : i32
    %mul3A_111 = arith.constant 128 : i32
    %mul3A_112 = arith.muli %add3A_110, %mul3A_111 : i32
    %multiple_of3A_113 = tpu.assume_multiple %mul3A_112, 128 : i32
    %dma_start3A_114 = arith.constant 5 : i32
    %dma_start3A_115 = arith.constant 5 : i32
    %dma_start3A_116 = arith.constant 0 : i32
    %dma_start3A_117 = arith.constant 0 : i32
    %dma_start3A_118 = tpu.memref_slice %arg9[%dma_start3A_114, %dma_start3A_116, %dma_start3A_117] : memref<8x64x128xf32, #tpu.memory_space<vmem>> -> memref<1x64x128xf32, #tpu.memory_space<vmem>>
    %dma_start3A_119 = tpu.memref_squeeze %dma_start3A_118 : memref<1x64x128xf32, #tpu.memory_space<vmem>> -> memref<64x128xf32, #tpu.memory_space<vmem>>
    %dma_start3A_120 = arith.constant 0 : i32
    %dma_start3A_121 = tpu.memref_slice %arg3[%dma_start3A_120, %multiple_of3A_113] : memref<64x1000000xf32, #tpu.memory_space<hbm>> -> memref<64x128xf32, #tpu.memory_space<hbm>>
    %dma_start3A_122 = tpu.memref_slice %arg11[%dma_start3A_115] : memref<8x!tpu.dma_semaphore, #tpu.memory_space<semaphore_mem>> -> memref<1x!tpu.dma_semaphore, #tpu.memory_space<semaphore_mem>>
    %dma_start3A_123 = tpu.memref_squeeze %dma_start3A_122 : memref<1x!tpu.dma_semaphore, #tpu.memory_space<semaphore_mem>> -> memref<!tpu.dma_semaphore, #tpu.memory_space<semaphore_mem>>
    %dma_start3A_124 = arith.constant 0 : i32
    %dma_start3A_125 = arith.constant 0 : i32
    %dma_start3A_126 = tpu.memref_slice %arg9[%dma_start3A_114, %dma_start3A_124, %dma_start3A_125] : memref<8x64x128xf32, #tpu.memory_space<vmem>> -> memref<1x64x128xf32, #tpu.memory_space<vmem>>
    %dma_start3A_127 = tpu.memref_squeeze %dma_start3A_126 : memref<1x64x128xf32, #tpu.memory_space<vmem>> -> memref<64x128xf32, #tpu.memory_space<vmem>>
    %dma_start3A_128 = arith.constant 0 : i32
    %dma_start3A_129 = tpu.memref_slice %arg3[%dma_start3A_128, %multiple_of3A_113] : memref<64x1000000xf32, #tpu.memory_space<hbm>> -> memref<64x128xf32, #tpu.memory_space<hbm>>
    tpu.enqueue_dma source(%dma_start3A_129 : memref<64x128xf32, #tpu.memory_space<hbm>>) target(%dma_start3A_127 : memref<64x128xf32, #tpu.memory_space<vmem>>) target_semaphore(%dma_start3A_123 : memref<!tpu.dma_semaphore, #tpu.memory_space<semaphore_mem>>)
    %add3A_130 = arith.constant 6 : i32
    %add3A_131 = arith.addi %mul3A_2, %add3A_130 : i32
    %mul3A_132 = arith.constant 128 : i32
    %mul3A_133 = arith.muli %add3A_131, %mul3A_132 : i32
    %multiple_of3A_134 = tpu.assume_multiple %mul3A_133, 128 : i32
    %dma_start3A_135 = arith.constant 6 : i32
    %dma_start3A_136 = arith.constant 6 : i32
    %dma_start3A_137 = arith.constant 0 : i32
    %dma_start3A_138 = arith.constant 0 : i32
    %dma_start3A_139 = tpu.memref_slice %arg9[%dma_start3A_135, %dma_start3A_137, %dma_start3A_138] : memref<8x64x128xf32, #tpu.memory_space<vmem>> -> memref<1x64x128xf32, #tpu.memory_space<vmem>>
    %dma_start3A_140 = tpu.memref_squeeze %dma_start3A_139 : memref<1x64x128xf32, #tpu.memory_space<vmem>> -> memref<64x128xf32, #tpu.memory_space<vmem>>
    %dma_start3A_141 = arith.constant 0 : i32
    %dma_start3A_142 = tpu.memref_slice %arg3[%dma_start3A_141, %multiple_of3A_134] : memref<64x1000000xf32, #tpu.memory_space<hbm>> -> memref<64x128xf32, #tpu.memory_space<hbm>>
    %dma_start3A_143 = tpu.memref_slice %arg11[%dma_start3A_136] : memref<8x!tpu.dma_semaphore, #tpu.memory_space<semaphore_mem>> -> memref<1x!tpu.dma_semaphore, #tpu.memory_space<semaphore_mem>>
    %dma_start3A_144 = tpu.memref_squeeze %dma_start3A_143 : memref<1x!tpu.dma_semaphore, #tpu.memory_space<semaphore_mem>> -> memref<!tpu.dma_semaphore, #tpu.memory_space<semaphore_mem>>
    %dma_start3A_145 = arith.constant 0 : i32
    %dma_start3A_146 = arith.constant 0 : i32
    %dma_start3A_147 = tpu.memref_slice %arg9[%dma_start3A_135, %dma_start3A_145, %dma_start3A_146] : memref<8x64x128xf32, #tpu.memory_space<vmem>> -> memref<1x64x128xf32, #tpu.memory_space<vmem>>
    %dma_start3A_148 = tpu.memref_squeeze %dma_start3A_147 : memref<1x64x128xf32, #tpu.memory_space<vmem>> -> memref<64x128xf32, #tpu.memory_space<vmem>>
    %dma_start3A_149 = arith.constant 0 : i32
    %dma_start3A_150 = tpu.memref_slice %arg3[%dma_start3A_149, %multiple_of3A_134] : memref<64x1000000xf32, #tpu.memory_space<hbm>> -> memref<64x128xf32, #tpu.memory_space<hbm>>
    tpu.enqueue_dma source(%dma_start3A_150 : memref<64x128xf32, #tpu.memory_space<hbm>>) target(%dma_start3A_148 : memref<64x128xf32, #tpu.memory_space<vmem>>) target_semaphore(%dma_start3A_144 : memref<!tpu.dma_semaphore, #tpu.memory_space<semaphore_mem>>)
    "tpu.region"() ({
      %run_scoped3A = tpu.sem_alloc : memref<!tpu.dma_semaphore, #tpu.memory_space<semaphore_mem>>
      tpu.enqueue_dma source(%arg2 : memref<16384xi32, #tpu.memory_space<hbm>>) target(%arg5 : memref<16384xi32, #tpu.memory_space<vmem>>) target_semaphore(%run_scoped3A : memref<!tpu.dma_semaphore, #tpu.memory_space<semaphore_mem>>)
      tpu.wait_dma2 semaphore(%run_scoped3A : memref<!tpu.dma_semaphore, #tpu.memory_space<semaphore_mem>>) src(%arg2 : memref<16384xi32, #tpu.memory_space<hbm>>) dst(%arg5 : memref<16384xi32, #tpu.memory_space<vmem>>)
      tpu.yield
    }) : () -> ()
    %scan3A = arith.constant 0 : i32
    %scan3A_151 = arith.constant 0 : i32
    %scan3A_152 = arith.constant 16 : i32
    %scan3A_153 = arith.addi %scan3A_151, %scan3A_152 : i32
    %scan3A_154 = arith.constant 1 : i32
    scf.for %scan3A_249 = %scan3A_151 to %scan3A_153 step %scan3A_154  : i32 {
      %broadcast_in_dim3A_250 = arith.constant 0 : i32
      %broadcast_in_dim3A_251 = vector.broadcast %broadcast_in_dim3A_250 : i32 to vector<16xi32>
      %mul3A_252 = arith.constant 16 : i32
      %mul3A_253 = arith.muli %scan3A_249, %mul3A_252 : i32
      %swap3A = arith.index_cast %mul3A_253 : i32 to index
      %swap3A_254 = tpu.vector_load %arg8[%swap3A] {strides = array<i32>} : memref<256xi32, #tpu.memory_space<vmem>>, vector<16xi32>,
      tpu.vector_store %arg8[%swap3A], %broadcast_in_dim3A_251 {strides = array<i32>} : memref<256xi32, #tpu.memory_space<vmem>>, vector<16xi32>,
    }
    %scan3A_155 = arith.constant 16 : i32
    %scan3A_156 = arith.constant 0 : i32
    %scan3A_157 = arith.constant 0 : i32
    %scan3A_158 = arith.constant 1024 : i32
    %scan3A_159 = arith.addi %scan3A_157, %scan3A_158 : i32
    %scan3A_160 = arith.constant 1 : i32
    scf.for %scan3A_249 = %scan3A_157 to %scan3A_159 step %scan3A_160  : i32 {
      %mul3A_250 = arith.constant 16 : i32
      %mul3A_251 = arith.muli %scan3A_249, %mul3A_250 : i32
      %get3A_252 = arith.index_cast %mul3A_251 : i32 to index
      %get3A_253 = tpu.vector_load %arg5[%get3A_252] {strides = array<i32>} : memref<16384xi32, #tpu.memory_space<vmem>>, vector<16xi32>,
      %shift_right_logical3A = arith.constant 7 : i32
      %shift_right_logical3A_254 = vector.broadcast %shift_right_logical3A : i32 to vector<16xi32>
      %shift_right_logical3A_255 = arith.shrui %get3A_253, %shift_right_logical3A_254 : vector<16xi32>
      %ge3A = vector.broadcast %mul3A_2 : i32 to vector<16xi32>
      %ge3A_256 = arith.cmpi sge, %shift_right_logical3A_255, %ge3A : vector<16xi32>
      %lt3A = vector.broadcast %min3A_5 : i32 to vector<16xi32>
      %lt3A_257 = arith.cmpi slt, %shift_right_logical3A_255, %lt3A : vector<16xi32>
      %and3A_258 = arith.andi %ge3A_256, %lt3A_257 : vector<16xi1>
      %sub3A_259 = vector.broadcast %mul3A_2 : i32 to vector<16xi32>
      %sub3A_260 = arith.subi %shift_right_logical3A_255, %sub3A_259 : vector<16xi32>
      %and3A_261 = arith.constant 255 : i32
      %and3A_262 = vector.broadcast %and3A_261 : i32 to vector<16xi32>
      %and3A_263 = arith.andi %sub3A_260, %and3A_262 : vector<16xi32>
      %unique3A, %unique3A_264 = tpu.scan_count mask(%and3A_258 : vector<16xi1>) value(%and3A_263 : vector<16xi32>) : vector<16xi1>, vector<16xi32>
      %gather3A = tpu.vector_load_idx %arg8[%and3A_263] masked %and3A_258 : memref<256xi32, #tpu.memory_space<vmem>>[vector<16xi32>], vector<16xi32>, vector<16xi1>
      %add3A_265 = arith.addi %gather3A, %unique3A_264 : vector<16xi32>
      %sub3A_266 = arith.constant 1 : i32
      %sub3A_267 = vector.broadcast %sub3A_266 : i32 to vector<16xi32>
      %sub3A_268 = arith.subi %add3A_265, %sub3A_267 : vector<16xi32>
      %and3A_269 = arith.constant 15 : i32
      %and3A_270 = vector.broadcast %and3A_269 : i32 to vector<16xi32>
      %and3A_271 = arith.andi %sub3A_268, %and3A_270 : vector<16xi32>
      %mul3A_272 = arith.constant 16 : i32
      %mul3A_273 = vector.broadcast %mul3A_272 : i32 to vector<16xi32>
      %mul3A_274 = arith.muli %and3A_263, %mul3A_273 : vector<16xi32>
      %add3A_275 = arith.addi %mul3A_274, %and3A_271 : vector<16xi32>
      tpu.vector_store_idx %arg6[%add3A_275], %get3A_253 masked %and3A_258 : memref<4096xi32, #tpu.memory_space<vmem>>[vector<16xi32>], vector<16xi32>, vector<16xi1>
      %mul3A_276 = arith.constant 16 : i32
      %mul3A_277 = arith.muli %scan3A_249, %mul3A_276 : i32
      %add3A_278 = vector.broadcast %mul3A_277 : i32 to vector<16xi32>
      %add3A_279 = arith.addi %add3A_278, %iota3A : vector<16xi32>
      tpu.vector_store_idx %arg7[%add3A_275], %add3A_279 masked %and3A_258 : memref<4096xi32, #tpu.memory_space<vmem>>[vector<16xi32>], vector<16xi32>, vector<16xi1>
      %and3A_280 = arith.andi %and3A_258, %unique3A : vector<16xi1>
      tpu.vector_store_idx %arg8[%and3A_263], %unique3A_264 masked %and3A_280 {add = true} : memref<256xi32, #tpu.memory_space<vmem>>[vector<16xi32>], vector<16xi32>, vector<16xi1>
    }
    %scan3A_161 = arith.constant 1024 : i32
    %add3A_162 = arith.constant 0 : i32
    %add3A_163 = vector.broadcast %add3A_162 : i32 to vector<16xi32>
    %add3A_164 = arith.addi %add3A_163, %iota3A : vector<16xi32>
    %add3A_165 = arith.constant 16 : i32
    %add3A_166 = vector.broadcast %add3A_165 : i32 to vector<16xi32>
    %add3A_167 = arith.addi %add3A_166, %iota3A : vector<16xi32>
    %add3A_168 = arith.constant 32 : i32
    %add3A_169 = vector.broadcast %add3A_168 : i32 to vector<16xi32>
    %add3A_170 = arith.addi %add3A_169, %iota3A : vector<16xi32>
    %add3A_171 = arith.constant 48 : i32
    %add3A_172 = vector.broadcast %add3A_171 : i32 to vector<16xi32>
    %add3A_173 = arith.addi %add3A_172, %iota3A : vector<16xi32>
    %while3A = arith.constant 0 : i32
    %while3A_174 = arith.constant 0 : i32
    %while3A_175 = arith.subi %sub3A, %while3A_174 : i32
    %while3A_176 = arith.addi %while3A_174, %while3A_175 : i32
    %while3A_177 = arith.constant 1 : i32
    %while3A_178 = arith.divsi %while3A_175, %while3A_177 : i32
    %while3A_179 = arith.muli %while3A_178, %while3A_177 : i32
    %while3A_180 = arith.addi %while3A_174, %while3A_179 : i32
    %while3A_181 = arith.constant 1 : i32
    scf.for %while3A_249 = %while3A_174 to %while3A_180 step %while3A_181  : i32 {
      %and3A_250 = arith.constant 1 : i32
      %and3A_251 = arith.andi %while3A_249, %and3A_250 : i32
      %add3A_252 = arith.constant 8 : i32
      %add3A_253 = arith.addi %while3A_249, %add3A_252 : i32
      %sub3A_254 = arith.constant 1 : i32
      %sub3A_255 = arith.subi %add3A_253, %sub3A_254 : i32
      %lt3A = arith.cmpi slt, %sub3A_255, %sub3A : i32
      %add3A_256 = arith.constant 8 : i32
      %add3A_257 = arith.addi %while3A_249, %add3A_256 : i32
      %sub3A_258 = arith.constant 1 : i32
      %sub3A_259 = arith.subi %add3A_257, %sub3A_258 : i32
      %shift_right_arithmetic3A_260 = arith.constant 4 : i32
      %shift_right_arithmetic3A_261 = arith.shrsi %sub3A_259, %shift_right_arithmetic3A_260 : i32
      %mul3A_262 = arith.constant 16 : i32
      %mul3A_263 = arith.muli %shift_right_arithmetic3A_261, %mul3A_262 : i32
      %get3A_264 = arith.index_cast %mul3A_263 : i32 to index
      %get3A_265 = tpu.vector_load %arg8[%get3A_264] {strides = array<i32>} : memref<256xi32, #tpu.memory_space<vmem>>, vector<16xi32>,
      %and3A_266 = arith.constant 15 : i32
      %and3A_267 = arith.andi %sub3A_259, %and3A_266 : i32
      %iota3A_268 = tpu.iota {dimensions = array<i32: 0>} : vector<16xi32>
      %eq3A_269 = vector.broadcast %and3A_267 : i32 to vector<16xi32>
      %eq3A_270 = arith.cmpi eq, %iota3A_268, %eq3A_269 : vector<16xi32>
      %jit3A_271 = arith.constant 0 : i32
      %broadcast_in_dim3A_272 = vector.broadcast %jit3A_271 : i32 to vector<16xi32>
      %select_n3A_273 = arith.select %eq3A_270, %get3A_265, %broadcast_in_dim3A_272 : vector<16xi1>, vector<16xi32>
      %reduce_max3A_274 = arith.constant true
      %reduce_max3A_275 = vector.broadcast %reduce_max3A_274 : i1 to vector<16xi1>
      %reduce_max3A_276 = arith.constant -2147483648 : i32
      %reduce_max3A_277 = vector.broadcast %reduce_max3A_276 : i32 to vector<16xi32>
      %reduce_max3A_278 = arith.xori %select_n3A_273, %reduce_max3A_277 : vector<16xi32>
      %reduce_max3A_279 = tpu.scan <max>, %reduce_max3A_278 masked %reduce_max3A_275 : vector<16xi32>, vector<16xi1> -> vector<16xi32>
      %reduce_max3A_280 = arith.xori %reduce_max3A_279, %reduce_max3A_277 : vector<16xi32>
      %reduce_max3A_281 = vector.extract %reduce_max3A_280[15] : i32 from vector<16xi32>
      %gt3A = arith.constant 0 : i32
      %gt3A_282 = arith.cmpi sgt, %reduce_max3A_281, %gt3A : i32
      %and3A_283 = arith.andi %lt3A, %gt3A_282 : i1
      %convert_element_type3A = arith.extui %and3A_283 : i1 to i32
      %cond3A = arith.constant 0 : i32
      %cond3A_284 = arith.cmpi ne, %convert_element_type3A, %cond3A : i32
      scf.if %cond3A_284 {
        %add3A_323 = arith.constant 8 : i32
        %add3A_324 = arith.addi %while3A_249, %add3A_323 : i32
        %sub3A_325 = arith.constant 1 : i32
        %sub3A_326 = arith.subi %add3A_324, %sub3A_325 : i32
        %add3A_327 = arith.addi %mul3A_2, %sub3A_326 : i32
        %mul3A_328 = arith.constant 128 : i32
        %mul3A_329 = arith.muli %add3A_327, %mul3A_328 : i32
        %multiple_of3A_330 = tpu.assume_multiple %mul3A_329, 128 : i32
        %and3A_331 = arith.constant 7 : i32
        %and3A_332 = arith.andi %sub3A_326, %and3A_331 : i32
        %and3A_333 = arith.constant 7 : i32
        %and3A_334 = arith.andi %sub3A_326, %and3A_333 : i32
        %dma_start3A_335 = arith.constant 0 : i32
        %dma_start3A_336 = arith.constant 0 : i32
        %dma_start3A_337 = tpu.memref_slice %arg9[%and3A_332, %dma_start3A_335, %dma_start3A_336] : memref<8x64x128xf32, #tpu.memory_space<vmem>> -> memref<1x64x128xf32, #tpu.memory_space<vmem>>
        %dma_start3A_338 = tpu.memref_squeeze %dma_start3A_337 : memref<1x64x128xf32, #tpu.memory_space<vmem>> -> memref<64x128xf32, #tpu.memory_space<vmem>>
        %dma_start3A_339 = arith.constant 0 : i32
        %dma_start3A_340 = tpu.memref_slice %arg3[%dma_start3A_339, %multiple_of3A_330] : memref<64x1000000xf32, #tpu.memory_space<hbm>> -> memref<64x128xf32, #tpu.memory_space<hbm>>
        %dma_start3A_341 = tpu.memref_slice %arg11[%and3A_334] : memref<8x!tpu.dma_semaphore, #tpu.memory_space<semaphore_mem>> -> memref<1x!tpu.dma_semaphore, #tpu.memory_space<semaphore_mem>>
        %dma_start3A_342 = tpu.memref_squeeze %dma_start3A_341 : memref<1x!tpu.dma_semaphore, #tpu.memory_space<semaphore_mem>> -> memref<!tpu.dma_semaphore, #tpu.memory_space<semaphore_mem>>
        %dma_start3A_343 = arith.constant 0 : i32
        %dma_start3A_344 = arith.constant 0 : i32
        %dma_start3A_345 = tpu.memref_slice %arg9[%and3A_332, %dma_start3A_343, %dma_start3A_344] : memref<8x64x128xf32, #tpu.memory_space<vmem>> -> memref<1x64x128xf32, #tpu.memory_space<vmem>>
        %dma_start3A_346 = tpu.memref_squeeze %dma_start3A_345 : memref<1x64x128xf32, #tpu.memory_space<vmem>> -> memref<64x128xf32, #tpu.memory_space<vmem>>
        %dma_start3A_347 = arith.constant 0 : i32
        %dma_start3A_348 = tpu.memref_slice %arg3[%dma_start3A_347, %multiple_of3A_330] : memref<64x1000000xf32, #tpu.memory_space<hbm>> -> memref<64x128xf32, #tpu.memory_space<hbm>>
        tpu.enqueue_dma source(%dma_start3A_348 : memref<64x128xf32, #tpu.memory_space<hbm>>) target(%dma_start3A_346 : memref<64x128xf32, #tpu.memory_space<vmem>>) target_semaphore(%dma_start3A_342 : memref<!tpu.dma_semaphore, #tpu.memory_space<semaphore_mem>>)
      } else {
      }
      %shift_right_arithmetic3A_285 = arith.constant 4 : i32
      %shift_right_arithmetic3A_286 = arith.shrsi %while3A_249, %shift_right_arithmetic3A_285 : i32
      %mul3A_287 = arith.constant 16 : i32
      %mul3A_288 = arith.muli %shift_right_arithmetic3A_286, %mul3A_287 : i32
      %get3A_289 = arith.index_cast %mul3A_288 : i32 to index
      %get3A_290 = tpu.vector_load %arg8[%get3A_289] {strides = array<i32>} : memref<256xi32, #tpu.memory_space<vmem>>, vector<16xi32>,
      %and3A_291 = arith.constant 15 : i32
      %and3A_292 = arith.andi %while3A_249, %and3A_291 : i32
      %iota3A_293 = tpu.iota {dimensions = array<i32: 0>} : vector<16xi32>
      %eq3A_294 = vector.broadcast %and3A_292 : i32 to vector<16xi32>
      %eq3A_295 = arith.cmpi eq, %iota3A_293, %eq3A_294 : vector<16xi32>
      %jit3A_296 = arith.constant 0 : i32
      %broadcast_in_dim3A_297 = vector.broadcast %jit3A_296 : i32 to vector<16xi32>
      %select_n3A_298 = arith.select %eq3A_295, %get3A_290, %broadcast_in_dim3A_297 : vector<16xi1>, vector<16xi32>
      %reduce_max3A_299 = arith.constant true
      %reduce_max3A_300 = vector.broadcast %reduce_max3A_299 : i1 to vector<16xi1>
      %reduce_max3A_301 = arith.constant -2147483648 : i32
      %reduce_max3A_302 = vector.broadcast %reduce_max3A_301 : i32 to vector<16xi32>
      %reduce_max3A_303 = arith.xori %select_n3A_298, %reduce_max3A_302 : vector<16xi32>
      %reduce_max3A_304 = tpu.scan <max>, %reduce_max3A_303 masked %reduce_max3A_300 : vector<16xi32>, vector<16xi1> -> vector<16xi32>
      %reduce_max3A_305 = arith.xori %reduce_max3A_304, %reduce_max3A_302 : vector<16xi32>
      %reduce_max3A_306 = vector.extract %reduce_max3A_305[15] : i32 from vector<16xi32>
      %lt3A_307 = arith.constant 7 : i32
      %lt3A_308 = arith.cmpi slt, %while3A_249, %lt3A_307 : i32
      %gt3A_309 = arith.constant 0 : i32
      %gt3A_310 = arith.cmpi sgt, %reduce_max3A_306, %gt3A_309 : i32
      %or3A = arith.ori %lt3A_308, %gt3A_310 : i1
      %convert_element_type3A_311 = arith.extui %or3A : i1 to i32
      %cond3A_312 = arith.constant 0 : i32
      %cond3A_313 = arith.cmpi ne, %convert_element_type3A_311, %cond3A_312 : i32
      scf.if %cond3A_313 {
        %and3A_323 = arith.constant 7 : i32
        %and3A_324 = arith.andi %while3A_249, %and3A_323 : i32
        %and3A_325 = arith.constant 7 : i32
        %and3A_326 = arith.andi %while3A_249, %and3A_325 : i32
        %dma_wait3A = arith.constant 0 : i32
        %dma_wait3A_327 = arith.constant 0 : i32
        %dma_wait3A_328 = tpu.memref_slice %arg9[%and3A_324, %dma_wait3A, %dma_wait3A_327] : memref<8x64x128xf32, #tpu.memory_space<vmem>> -> memref<1x64x128xf32, #tpu.memory_space<vmem>>
        %dma_wait3A_329 = tpu.memref_squeeze %dma_wait3A_328 : memref<1x64x128xf32, #tpu.memory_space<vmem>> -> memref<64x128xf32, #tpu.memory_space<vmem>>
        %dma_wait3A_330 = arith.constant 0 : i32
        %dma_wait3A_331 = arith.constant 0 : i32
        %dma_wait3A_332 = tpu.memref_slice %arg3[%dma_wait3A_330, %dma_wait3A_331] : memref<64x1000000xf32, #tpu.memory_space<hbm>> -> memref<64x128xf32, #tpu.memory_space<hbm>>
        %dma_wait3A_333 = tpu.memref_slice %arg11[%and3A_326] : memref<8x!tpu.dma_semaphore, #tpu.memory_space<semaphore_mem>> -> memref<1x!tpu.dma_semaphore, #tpu.memory_space<semaphore_mem>>
        %dma_wait3A_334 = tpu.memref_squeeze %dma_wait3A_333 : memref<1x!tpu.dma_semaphore, #tpu.memory_space<semaphore_mem>> -> memref<!tpu.dma_semaphore, #tpu.memory_space<semaphore_mem>>
        %dma_wait3A_335 = arith.constant 0 : i32
        %dma_wait3A_336 = arith.constant 0 : i32
        %dma_wait3A_337 = tpu.memref_slice %arg9[%and3A_324, %dma_wait3A_335, %dma_wait3A_336] : memref<8x64x128xf32, #tpu.memory_space<vmem>> -> memref<1x64x128xf32, #tpu.memory_space<vmem>>
        %dma_wait3A_338 = tpu.memref_squeeze %dma_wait3A_337 : memref<1x64x128xf32, #tpu.memory_space<vmem>> -> memref<64x128xf32, #tpu.memory_space<vmem>>
        %dma_wait3A_339 = arith.constant 0 : i32
        %dma_wait3A_340 = arith.constant 0 : i32
        %dma_wait3A_341 = tpu.memref_slice %arg3[%dma_wait3A_339, %dma_wait3A_340] : memref<64x1000000xf32, #tpu.memory_space<hbm>> -> memref<64x128xf32, #tpu.memory_space<hbm>>
        tpu.wait_dma2 semaphore(%dma_wait3A_334 : memref<!tpu.dma_semaphore, #tpu.memory_space<semaphore_mem>>) src(%dma_wait3A_341 : memref<64x128xf32, #tpu.memory_space<hbm>>) dst(%dma_wait3A_338 : memref<64x128xf32, #tpu.memory_space<vmem>>)
      } else {
      }
      %ge3A = arith.constant 2 : i32
      %ge3A_314 = arith.cmpi sge, %while3A_249, %ge3A : i32
      %convert_element_type3A_315 = arith.extui %ge3A_314 : i1 to i32
      %cond3A_316 = arith.constant 0 : i32
      %cond3A_317 = arith.cmpi ne, %convert_element_type3A_315, %cond3A_316 : i32
      scf.if %cond3A_317 {
        %sub3A_323 = arith.constant 2 : i32
        %sub3A_324 = arith.subi %while3A_249, %sub3A_323 : i32
        %shift_right_arithmetic3A_325 = arith.constant 4 : i32
        %shift_right_arithmetic3A_326 = arith.shrsi %sub3A_324, %shift_right_arithmetic3A_325 : i32
        %mul3A_327 = arith.constant 16 : i32
        %mul3A_328 = arith.muli %shift_right_arithmetic3A_326, %mul3A_327 : i32
        %get3A_329 = arith.index_cast %mul3A_328 : i32 to index
        %get3A_330 = tpu.vector_load %arg8[%get3A_329] {strides = array<i32>} : memref<256xi32, #tpu.memory_space<vmem>>, vector<16xi32>,
        %and3A_331 = arith.constant 15 : i32
        %and3A_332 = arith.andi %sub3A_324, %and3A_331 : i32
        %iota3A_333 = tpu.iota {dimensions = array<i32: 0>} : vector<16xi32>
        %eq3A_334 = vector.broadcast %and3A_332 : i32 to vector<16xi32>
        %eq3A_335 = arith.cmpi eq, %iota3A_333, %eq3A_334 : vector<16xi32>
        %jit3A_336 = arith.constant 0 : i32
        %broadcast_in_dim3A_337 = vector.broadcast %jit3A_336 : i32 to vector<16xi32>
        %select_n3A_338 = arith.select %eq3A_335, %get3A_330, %broadcast_in_dim3A_337 : vector<16xi1>, vector<16xi32>
        %reduce_max3A_339 = arith.constant true
        %reduce_max3A_340 = vector.broadcast %reduce_max3A_339 : i1 to vector<16xi1>
        %reduce_max3A_341 = arith.constant -2147483648 : i32
        %reduce_max3A_342 = vector.broadcast %reduce_max3A_341 : i32 to vector<16xi32>
        %reduce_max3A_343 = arith.xori %select_n3A_338, %reduce_max3A_342 : vector<16xi32>
        %reduce_max3A_344 = tpu.scan <max>, %reduce_max3A_343 masked %reduce_max3A_340 : vector<16xi32>, vector<16xi1> -> vector<16xi32>
        %reduce_max3A_345 = arith.xori %reduce_max3A_344, %reduce_max3A_342 : vector<16xi32>
        %reduce_max3A_346 = vector.extract %reduce_max3A_345[15] : i32 from vector<16xi32>
        %while3A_347 = arith.constant 0 : i32
        %while3A_348 = arith.constant 0 : i32
        %while3A_349 = arith.subi %reduce_max3A_346, %while3A_348 : i32
        %while3A_350 = arith.addi %while3A_348, %while3A_349 : i32
        %while3A_351 = arith.constant 1 : i32
        %while3A_352 = arith.divsi %while3A_349, %while3A_351 : i32
        %while3A_353 = arith.muli %while3A_352, %while3A_351 : i32
        %while3A_354 = arith.addi %while3A_348, %while3A_353 : i32
        %while3A_355 = arith.constant 1 : i32
        scf.for %while3A_357 = %while3A_348 to %while3A_354 step %while3A_355  : i32 {
          %dma_wait3A = arith.constant 0 : i32
          %dma_wait3A_358 = arith.constant 0 : i32
          %dma_wait3A_359 = tpu.memref_slice %arg10[%and3A_251, %dma_wait3A, %dma_wait3A_358] : memref<2x16x64xf32, #tpu.memory_space<vmem>> -> memref<1x1x64xf32, #tpu.memory_space<vmem>>
          %dma_wait3A_360 = tpu.memref_squeeze %dma_wait3A_359 : memref<1x1x64xf32, #tpu.memory_space<vmem>> -> memref<64xf32, #tpu.memory_space<vmem>>
          %dma_wait3A_361 = arith.constant 0 : i32
          %dma_wait3A_362 = tpu.memref_slice %arg4[%dma_wait3A_361] : memref<1048576xf32, #tpu.memory_space<hbm>> -> memref<64xf32, #tpu.memory_space<hbm>>
          %dma_wait3A_363 = tpu.memref_slice %arg12[%and3A_251] : memref<2x!tpu.dma_semaphore, #tpu.memory_space<semaphore_mem>> -> memref<1x!tpu.dma_semaphore, #tpu.memory_space<semaphore_mem>>
          %dma_wait3A_364 = tpu.memref_squeeze %dma_wait3A_363 : memref<1x!tpu.dma_semaphore, #tpu.memory_space<semaphore_mem>> -> memref<!tpu.dma_semaphore, #tpu.memory_space<semaphore_mem>>
          %dma_wait3A_365 = arith.constant 0 : i32
          %dma_wait3A_366 = tpu.memref_slice %arg10[%and3A_251, %dma_wait3A, %dma_wait3A_365] : memref<2x16x64xf32, #tpu.memory_space<vmem>> -> memref<1x1x64xf32, #tpu.memory_space<vmem>>
          %dma_wait3A_367 = tpu.memref_squeeze %dma_wait3A_366 : memref<1x1x64xf32, #tpu.memory_space<vmem>> -> memref<64xf32, #tpu.memory_space<vmem>>
          %dma_wait3A_368 = arith.constant 0 : i32
          %dma_wait3A_369 = tpu.memref_slice %arg4[%dma_wait3A_368] : memref<1048576xf32, #tpu.memory_space<hbm>> -> memref<64xf32, #tpu.memory_space<hbm>>
          tpu.wait_dma2 semaphore(%dma_wait3A_364 : memref<!tpu.dma_semaphore, #tpu.memory_space<semaphore_mem>>) src(%dma_wait3A_369 : memref<64xf32, #tpu.memory_space<hbm>>) dst(%dma_wait3A_367 : memref<64xf32, #tpu.memory_space<vmem>>)
        }
        %while3A_356 = arith.constant 1 : i32
        scf.for %while3A_357 = %while3A_354 to %while3A_350 step %while3A_356  : i32 {
          %dma_wait3A = arith.constant 0 : i32
          %dma_wait3A_358 = arith.constant 0 : i32
          %dma_wait3A_359 = tpu.memref_slice %arg10[%and3A_251, %dma_wait3A, %dma_wait3A_358] : memref<2x16x64xf32, #tpu.memory_space<vmem>> -> memref<1x1x64xf32, #tpu.memory_space<vmem>>
          %dma_wait3A_360 = tpu.memref_squeeze %dma_wait3A_359 : memref<1x1x64xf32, #tpu.memory_space<vmem>> -> memref<64xf32, #tpu.memory_space<vmem>>
          %dma_wait3A_361 = arith.constant 0 : i32
          %dma_wait3A_362 = tpu.memref_slice %arg4[%dma_wait3A_361] : memref<1048576xf32, #tpu.memory_space<hbm>> -> memref<64xf32, #tpu.memory_space<hbm>>
          %dma_wait3A_363 = tpu.memref_slice %arg12[%and3A_251] : memref<2x!tpu.dma_semaphore, #tpu.memory_space<semaphore_mem>> -> memref<1x!tpu.dma_semaphore, #tpu.memory_space<semaphore_mem>>
          %dma_wait3A_364 = tpu.memref_squeeze %dma_wait3A_363 : memref<1x!tpu.dma_semaphore, #tpu.memory_space<semaphore_mem>> -> memref<!tpu.dma_semaphore, #tpu.memory_space<semaphore_mem>>
          %dma_wait3A_365 = arith.constant 0 : i32
          %dma_wait3A_366 = tpu.memref_slice %arg10[%and3A_251, %dma_wait3A, %dma_wait3A_365] : memref<2x16x64xf32, #tpu.memory_space<vmem>> -> memref<1x1x64xf32, #tpu.memory_space<vmem>>
          %dma_wait3A_367 = tpu.memref_squeeze %dma_wait3A_366 : memref<1x1x64xf32, #tpu.memory_space<vmem>> -> memref<64xf32, #tpu.memory_space<vmem>>
          %dma_wait3A_368 = arith.constant 0 : i32
          %dma_wait3A_369 = tpu.memref_slice %arg4[%dma_wait3A_368] : memref<1048576xf32, #tpu.memory_space<hbm>> -> memref<64xf32, #tpu.memory_space<hbm>>
          tpu.wait_dma2 semaphore(%dma_wait3A_364 : memref<!tpu.dma_semaphore, #tpu.memory_space<semaphore_mem>>) src(%dma_wait3A_369 : memref<64xf32, #tpu.memory_space<hbm>>) dst(%dma_wait3A_367 : memref<64xf32, #tpu.memory_space<vmem>>)
        }
      } else {
      }
      %gt3A_318 = arith.constant 0 : i32
      %gt3A_319 = arith.cmpi sgt, %reduce_max3A_306, %gt3A_318 : i32
      %convert_element_type3A_320 = arith.extui %gt3A_319 : i1 to i32
      %cond3A_321 = arith.constant 0 : i32
      %cond3A_322 = arith.cmpi ne, %convert_element_type3A_320, %cond3A_321 : i32
      scf.if %cond3A_322 {
        %and3A_323 = arith.constant 7 : i32
        %and3A_324 = arith.andi %while3A_249, %and3A_323 : i32
        %mul3A_325 = arith.constant 16 : i32
        %mul3A_326 = arith.muli %while3A_249, %mul3A_325 : i32
        %get3A_327 = arith.index_cast %mul3A_326 : i32 to index
        %get3A_328 = tpu.vector_load %arg6[%get3A_327] {strides = array<i32>} : memref<4096xi32, #tpu.memory_space<vmem>>, vector<16xi32>,
        %mul3A_329 = arith.constant 16 : i32
        %mul3A_330 = arith.muli %while3A_249, %mul3A_329 : i32
        %get3A_331 = arith.index_cast %mul3A_330 : i32 to index
        %get3A_332 = tpu.vector_load %arg7[%get3A_331] {strides = array<i32>} : memref<4096xi32, #tpu.memory_space<vmem>>, vector<16xi32>,
        %and3A_333 = arith.constant 127 : i32
        %and3A_334 = vector.broadcast %and3A_333 : i32 to vector<16xi32>
        %and3A_335 = arith.andi %get3A_328, %and3A_334 : vector<16xi32>
        %while3A_336 = arith.constant 0 : i32
        %while3A_337 = arith.constant 0 : i32
        %while3A_338 = arith.subi %reduce_max3A_306, %while3A_337 : i32
        %while3A_339 = arith.addi %while3A_337, %while3A_338 : i32
        %while3A_340 = arith.constant 1 : i32
        %while3A_341 = arith.divsi %while3A_338, %while3A_340 : i32
        %while3A_342 = arith.muli %while3A_341, %while3A_340 : i32
        %while3A_343 = arith.addi %while3A_337, %while3A_342 : i32
        %while3A_344 = arith.constant 1 : i32
        scf.for %while3A_346 = %while3A_337 to %while3A_343 step %while3A_344  : i32 {
          %iota3A_347 = tpu.iota {dimensions = array<i32: 0>} : vector<16xi32>
          %eq3A_348 = vector.broadcast %while3A_346 : i32 to vector<16xi32>
          %eq3A_349 = arith.cmpi eq, %iota3A_347, %eq3A_348 : vector<16xi32>
          %jit3A_350 = arith.constant 0 : i32
          %broadcast_in_dim3A_351 = vector.broadcast %jit3A_350 : i32 to vector<16xi32>
          %select_n3A_352 = arith.select %eq3A_349, %and3A_335, %broadcast_in_dim3A_351 : vector<16xi1>, vector<16xi32>
          %reduce_max3A_353 = arith.constant true
          %reduce_max3A_354 = vector.broadcast %reduce_max3A_353 : i1 to vector<16xi1>
          %reduce_max3A_355 = arith.constant -2147483648 : i32
          %reduce_max3A_356 = vector.broadcast %reduce_max3A_355 : i32 to vector<16xi32>
          %reduce_max3A_357 = arith.xori %select_n3A_352, %reduce_max3A_356 : vector<16xi32>
          %reduce_max3A_358 = tpu.scan <max>, %reduce_max3A_357 masked %reduce_max3A_354 : vector<16xi32>, vector<16xi1> -> vector<16xi32>
          %reduce_max3A_359 = arith.xori %reduce_max3A_358, %reduce_max3A_356 : vector<16xi32>
          %reduce_max3A_360 = vector.extract %reduce_max3A_359[15] : i32 from vector<16xi32>
          %broadcast_in_dim3A_361 = vector.broadcast %reduce_max3A_360 : i32 to vector<16xi32>
          %iota3A_362 = tpu.iota {dimensions = array<i32: 0>} : vector<16xi32>
          %eq3A_363 = vector.broadcast %while3A_346 : i32 to vector<16xi32>
          %eq3A_364 = arith.cmpi eq, %iota3A_362, %eq3A_363 : vector<16xi32>
          %jit3A_365 = arith.constant 0 : i32
          %broadcast_in_dim3A_366 = vector.broadcast %jit3A_365 : i32 to vector<16xi32>
          %select_n3A_367 = arith.select %eq3A_364, %get3A_332, %broadcast_in_dim3A_366 : vector<16xi1>, vector<16xi32>
          %reduce_max3A_368 = arith.constant true
          %reduce_max3A_369 = vector.broadcast %reduce_max3A_368 : i1 to vector<16xi1>
          %reduce_max3A_370 = arith.constant -2147483648 : i32
          %reduce_max3A_371 = vector.broadcast %reduce_max3A_370 : i32 to vector<16xi32>
          %reduce_max3A_372 = arith.xori %select_n3A_367, %reduce_max3A_371 : vector<16xi32>
          %reduce_max3A_373 = tpu.scan <max>, %reduce_max3A_372 masked %reduce_max3A_369 : vector<16xi32>, vector<16xi1> -> vector<16xi32>
          %reduce_max3A_374 = arith.xori %reduce_max3A_373, %reduce_max3A_371 : vector<16xi32>
          %reduce_max3A_375 = vector.extract %reduce_max3A_374[15] : i32 from vector<16xi32>
          %gather3A = arith.constant 0 : i32
          %gather3A_376 = arith.constant 0 : i32
          %gather3A_377 = tpu.memref_slice %arg9[%and3A_324, %gather3A, %gather3A_376] : memref<8x64x128xf32, #tpu.memory_space<vmem>> -> memref<1x64x128xf32, #tpu.memory_space<vmem>>
          %gather3A_378 = tpu.memref_squeeze %gather3A_377 : memref<1x64x128xf32, #tpu.memory_space<vmem>> -> memref<64x128xf32, #tpu.memory_space<vmem>>
          %gather3A_379 = tpu.vector_load_idx %gather3A_378[%add3A_164, %broadcast_in_dim3A_361] : memref<64x128xf32, #tpu.memory_space<vmem>>[vector<16xi32>, vector<16xi32>], vector<16xf32>,
          %swap3A = arith.index_cast %and3A_251 : i32 to index
          %swap3A_380 = arith.index_cast %while3A_346 : i32 to index
          %swap3A_381 = arith.constant 0 : index
          %swap3A_382 = tpu.vector_load %arg10[%swap3A, %swap3A_380, %swap3A_381] {strides = array<i32>} : memref<2x16x64xf32, #tpu.memory_space<vmem>>, vector<16xf32>,
          tpu.vector_store %arg10[%swap3A, %swap3A_380, %swap3A_381], %gather3A_379 {strides = array<i32>} : memref<2x16x64xf32, #tpu.memory_space<vmem>>, vector<16xf32>,
          %gather3A_383 = arith.constant 0 : i32
          %gather3A_384 = arith.constant 0 : i32
          %gather3A_385 = tpu.memref_slice %arg9[%and3A_324, %gather3A_383, %gather3A_384] : memref<8x64x128xf32, #tpu.memory_space<vmem>> -> memref<1x64x128xf32, #tpu.memory_space<vmem>>
          %gather3A_386 = tpu.memref_squeeze %gather3A_385 : memref<1x64x128xf32, #tpu.memory_space<vmem>> -> memref<64x128xf32, #tpu.memory_space<vmem>>
          %gather3A_387 = tpu.vector_load_idx %gather3A_386[%add3A_167, %broadcast_in_dim3A_361] : memref<64x128xf32, #tpu.memory_space<vmem>>[vector<16xi32>, vector<16xi32>], vector<16xf32>,
          %swap3A_388 = arith.index_cast %and3A_251 : i32 to index
          %swap3A_389 = arith.index_cast %while3A_346 : i32 to index
          %swap3A_390 = arith.constant 16 : index
          %swap3A_391 = tpu.vector_load %arg10[%swap3A_388, %swap3A_389, %swap3A_390] {strides = array<i32>} : memref<2x16x64xf32, #tpu.memory_space<vmem>>, vector<16xf32>,
          tpu.vector_store %arg10[%swap3A_388, %swap3A_389, %swap3A_390], %gather3A_387 {strides = array<i32>} : memref<2x16x64xf32, #tpu.memory_space<vmem>>, vector<16xf32>,
          %gather3A_392 = arith.constant 0 : i32
          %gather3A_393 = arith.constant 0 : i32
          %gather3A_394 = tpu.memref_slice %arg9[%and3A_324, %gather3A_392, %gather3A_393] : memref<8x64x128xf32, #tpu.memory_space<vmem>> -> memref<1x64x128xf32, #tpu.memory_space<vmem>>
          %gather3A_395 = tpu.memref_squeeze %gather3A_394 : memref<1x64x128xf32, #tpu.memory_space<vmem>> -> memref<64x128xf32, #tpu.memory_space<vmem>>
          %gather3A_396 = tpu.vector_load_idx %gather3A_395[%add3A_170, %broadcast_in_dim3A_361] : memref<64x128xf32, #tpu.memory_space<vmem>>[vector<16xi32>, vector<16xi32>], vector<16xf32>,
          %swap3A_397 = arith.index_cast %and3A_251 : i32 to index
          %swap3A_398 = arith.index_cast %while3A_346 : i32 to index
          %swap3A_399 = arith.constant 32 : index
          %swap3A_400 = tpu.vector_load %arg10[%swap3A_397, %swap3A_398, %swap3A_399] {strides = array<i32>} : memref<2x16x64xf32, #tpu.memory_space<vmem>>, vector<16xf32>,
          tpu.vector_store %arg10[%swap3A_397, %swap3A_398, %swap3A_399], %gather3A_396 {strides = array<i32>} : memref<2x16x64xf32, #tpu.memory_space<vmem>>, vector<16xf32>,
          %gather3A_401 = arith.constant 0 : i32
          %gather3A_402 = arith.constant 0 : i32
          %gather3A_403 = tpu.memref_slice %arg9[%and3A_324, %gather3A_401, %gather3A_402] : memref<8x64x128xf32, #tpu.memory_space<vmem>> -> memref<1x64x128xf32, #tpu.memory_space<vmem>>
          %gather3A_404 = tpu.memref_squeeze %gather3A_403 : memref<1x64x128xf32, #tpu.memory_space<vmem>> -> memref<64x128xf32, #tpu.memory_space<vmem>>
          %gather3A_405 = tpu.vector_load_idx %gather3A_404[%add3A_173, %broadcast_in_dim3A_361] : memref<64x128xf32, #tpu.memory_space<vmem>>[vector<16xi32>, vector<16xi32>], vector<16xf32>,
          %swap3A_406 = arith.index_cast %and3A_251 : i32 to index
          %swap3A_407 = arith.index_cast %while3A_346 : i32 to index
          %swap3A_408 = arith.constant 48 : index
          %swap3A_409 = tpu.vector_load %arg10[%swap3A_406, %swap3A_407, %swap3A_408] {strides = array<i32>} : memref<2x16x64xf32, #tpu.memory_space<vmem>>, vector<16xf32>,
          tpu.vector_store %arg10[%swap3A_406, %swap3A_407, %swap3A_408], %gather3A_405 {strides = array<i32>} : memref<2x16x64xf32, #tpu.memory_space<vmem>>, vector<16xf32>,
          %mul3A_410 = arith.constant 64 : i32
          %mul3A_411 = arith.muli %reduce_max3A_375, %mul3A_410 : i32
          %multiple_of3A_412 = tpu.assume_multiple %mul3A_411, 64 : i32
          %dma_start3A_413 = arith.constant 0 : i32
          %dma_start3A_414 = tpu.memref_slice %arg10[%and3A_251, %while3A_346, %dma_start3A_413] : memref<2x16x64xf32, #tpu.memory_space<vmem>> -> memref<1x1x64xf32, #tpu.memory_space<vmem>>
          %dma_start3A_415 = tpu.memref_squeeze %dma_start3A_414 : memref<1x1x64xf32, #tpu.memory_space<vmem>> -> memref<64xf32, #tpu.memory_space<vmem>>
          %dma_start3A_416 = tpu.memref_slice %arg4[%multiple_of3A_412] : memref<1048576xf32, #tpu.memory_space<hbm>> -> memref<64xf32, #tpu.memory_space<hbm>>
          %dma_start3A_417 = tpu.memref_slice %arg12[%and3A_251] : memref<2x!tpu.dma_semaphore, #tpu.memory_space<semaphore_mem>> -> memref<1x!tpu.dma_semaphore, #tpu.memory_space<semaphore_mem>>
          %dma_start3A_418 = tpu.memref_squeeze %dma_start3A_417 : memref<1x!tpu.dma_semaphore, #tpu.memory_space<semaphore_mem>> -> memref<!tpu.dma_semaphore, #tpu.memory_space<semaphore_mem>>
          %dma_start3A_419 = tpu.memref_slice %arg4[%multiple_of3A_412] : memref<1048576xf32, #tpu.memory_space<hbm>> -> memref<64xf32, #tpu.memory_space<hbm>>
          %dma_start3A_420 = arith.constant 0 : i32
          %dma_start3A_421 = tpu.memref_slice %arg10[%and3A_251, %while3A_346, %dma_start3A_420] : memref<2x16x64xf32, #tpu.memory_space<vmem>> -> memref<1x1x64xf32, #tpu.memory_space<vmem>>
          %dma_start3A_422 = tpu.memref_squeeze %dma_start3A_421 : memref<1x1x64xf32, #tpu.memory_space<vmem>> -> memref<64xf32, #tpu.memory_space<vmem>>
          tpu.enqueue_dma source(%dma_start3A_422 : memref<64xf32, #tpu.memory_space<vmem>>) target(%dma_start3A_419 : memref<64xf32, #tpu.memory_space<hbm>>) target_semaphore(%dma_start3A_418 : memref<!tpu.dma_semaphore, #tpu.memory_space<semaphore_mem>>)
        }
        %while3A_345 = arith.constant 1 : i32
        scf.for %while3A_346 = %while3A_343 to %while3A_339 step %while3A_345  : i32 {
          %iota3A_347 = tpu.iota {dimensions = array<i32: 0>} : vector<16xi32>
          %eq3A_348 = vector.broadcast %while3A_346 : i32 to vector<16xi32>
          %eq3A_349 = arith.cmpi eq, %iota3A_347, %eq3A_348 : vector<16xi32>
          %jit3A_350 = arith.constant 0 : i32
          %broadcast_in_dim3A_351 = vector.broadcast %jit3A_350 : i32 to vector<16xi32>
          %select_n3A_352 = arith.select %eq3A_349, %and3A_335, %broadcast_in_dim3A_351 : vector<16xi1>, vector<16xi32>
          %reduce_max3A_353 = arith.constant true
          %reduce_max3A_354 = vector.broadcast %reduce_max3A_353 : i1 to vector<16xi1>
          %reduce_max3A_355 = arith.constant -2147483648 : i32
          %reduce_max3A_356 = vector.broadcast %reduce_max3A_355 : i32 to vector<16xi32>
          %reduce_max3A_357 = arith.xori %select_n3A_352, %reduce_max3A_356 : vector<16xi32>
          %reduce_max3A_358 = tpu.scan <max>, %reduce_max3A_357 masked %reduce_max3A_354 : vector<16xi32>, vector<16xi1> -> vector<16xi32>
          %reduce_max3A_359 = arith.xori %reduce_max3A_358, %reduce_max3A_356 : vector<16xi32>
          %reduce_max3A_360 = vector.extract %reduce_max3A_359[15] : i32 from vector<16xi32>
          %broadcast_in_dim3A_361 = vector.broadcast %reduce_max3A_360 : i32 to vector<16xi32>
          %iota3A_362 = tpu.iota {dimensions = array<i32: 0>} : vector<16xi32>
          %eq3A_363 = vector.broadcast %while3A_346 : i32 to vector<16xi32>
          %eq3A_364 = arith.cmpi eq, %iota3A_362, %eq3A_363 : vector<16xi32>
          %jit3A_365 = arith.constant 0 : i32
          %broadcast_in_dim3A_366 = vector.broadcast %jit3A_365 : i32 to vector<16xi32>
          %select_n3A_367 = arith.select %eq3A_364, %get3A_332, %broadcast_in_dim3A_366 : vector<16xi1>, vector<16xi32>
          %reduce_max3A_368 = arith.constant true
          %reduce_max3A_369 = vector.broadcast %reduce_max3A_368 : i1 to vector<16xi1>
          %reduce_max3A_370 = arith.constant -2147483648 : i32
          %reduce_max3A_371 = vector.broadcast %reduce_max3A_370 : i32 to vector<16xi32>
          %reduce_max3A_372 = arith.xori %select_n3A_367, %reduce_max3A_371 : vector<16xi32>
          %reduce_max3A_373 = tpu.scan <max>, %reduce_max3A_372 masked %reduce_max3A_369 : vector<16xi32>, vector<16xi1> -> vector<16xi32>
          %reduce_max3A_374 = arith.xori %reduce_max3A_373, %reduce_max3A_371 : vector<16xi32>
          %reduce_max3A_375 = vector.extract %reduce_max3A_374[15] : i32 from vector<16xi32>
          %gather3A = arith.constant 0 : i32
          %gather3A_376 = arith.constant 0 : i32
          %gather3A_377 = tpu.memref_slice %arg9[%and3A_324, %gather3A, %gather3A_376] : memref<8x64x128xf32, #tpu.memory_space<vmem>> -> memref<1x64x128xf32, #tpu.memory_space<vmem>>
          %gather3A_378 = tpu.memref_squeeze %gather3A_377 : memref<1x64x128xf32, #tpu.memory_space<vmem>> -> memref<64x128xf32, #tpu.memory_space<vmem>>
          %gather3A_379 = tpu.vector_load_idx %gather3A_378[%add3A_164, %broadcast_in_dim3A_361] : memref<64x128xf32, #tpu.memory_space<vmem>>[vector<16xi32>, vector<16xi32>], vector<16xf32>,
          %swap3A = arith.index_cast %and3A_251 : i32 to index
          %swap3A_380 = arith.index_cast %while3A_346 : i32 to index
          %swap3A_381 = arith.constant 0 : index
          %swap3A_382 = tpu.vector_load %arg10[%swap3A, %swap3A_380, %swap3A_381] {strides = array<i32>} : memref<2x16x64xf32, #tpu.memory_space<vmem>>, vector<16xf32>,
          tpu.vector_store %arg10[%swap3A, %swap3A_380, %swap3A_381], %gather3A_379 {strides = array<i32>} : memref<2x16x64xf32, #tpu.memory_space<vmem>>, vector<16xf32>,
          %gather3A_383 = arith.constant 0 : i32
          %gather3A_384 = arith.constant 0 : i32
          %gather3A_385 = tpu.memref_slice %arg9[%and3A_324, %gather3A_383, %gather3A_384] : memref<8x64x128xf32, #tpu.memory_space<vmem>> -> memref<1x64x128xf32, #tpu.memory_space<vmem>>
          %gather3A_386 = tpu.memref_squeeze %gather3A_385 : memref<1x64x128xf32, #tpu.memory_space<vmem>> -> memref<64x128xf32, #tpu.memory_space<vmem>>
          %gather3A_387 = tpu.vector_load_idx %gather3A_386[%add3A_167, %broadcast_in_dim3A_361] : memref<64x128xf32, #tpu.memory_space<vmem>>[vector<16xi32>, vector<16xi32>], vector<16xf32>,
          %swap3A_388 = arith.index_cast %and3A_251 : i32 to index
          %swap3A_389 = arith.index_cast %while3A_346 : i32 to index
          %swap3A_390 = arith.constant 16 : index
          %swap3A_391 = tpu.vector_load %arg10[%swap3A_388, %swap3A_389, %swap3A_390] {strides = array<i32>} : memref<2x16x64xf32, #tpu.memory_space<vmem>>, vector<16xf32>,
          tpu.vector_store %arg10[%swap3A_388, %swap3A_389, %swap3A_390], %gather3A_387 {strides = array<i32>} : memref<2x16x64xf32, #tpu.memory_space<vmem>>, vector<16xf32>,
          %gather3A_392 = arith.constant 0 : i32
          %gather3A_393 = arith.constant 0 : i32
          %gather3A_394 = tpu.memref_slice %arg9[%and3A_324, %gather3A_392, %gather3A_393] : memref<8x64x128xf32, #tpu.memory_space<vmem>> -> memref<1x64x128xf32, #tpu.memory_space<vmem>>
          %gather3A_395 = tpu.memref_squeeze %gather3A_394 : memref<1x64x128xf32, #tpu.memory_space<vmem>> -> memref<64x128xf32, #tpu.memory_space<vmem>>
          %gather3A_396 = tpu.vector_load_idx %gather3A_395[%add3A_170, %broadcast_in_dim3A_361] : memref<64x128xf32, #tpu.memory_space<vmem>>[vector<16xi32>, vector<16xi32>], vector<16xf32>,
          %swap3A_397 = arith.index_cast %and3A_251 : i32 to index
          %swap3A_398 = arith.index_cast %while3A_346 : i32 to index
          %swap3A_399 = arith.constant 32 : index
          %swap3A_400 = tpu.vector_load %arg10[%swap3A_397, %swap3A_398, %swap3A_399] {strides = array<i32>} : memref<2x16x64xf32, #tpu.memory_space<vmem>>, vector<16xf32>,
          tpu.vector_store %arg10[%swap3A_397, %swap3A_398, %swap3A_399], %gather3A_396 {strides = array<i32>} : memref<2x16x64xf32, #tpu.memory_space<vmem>>, vector<16xf32>,
          %gather3A_401 = arith.constant 0 : i32
          %gather3A_402 = arith.constant 0 : i32
          %gather3A_403 = tpu.memref_slice %arg9[%and3A_324, %gather3A_401, %gather3A_402] : memref<8x64x128xf32, #tpu.memory_space<vmem>> -> memref<1x64x128xf32, #tpu.memory_space<vmem>>
          %gather3A_404 = tpu.memref_squeeze %gather3A_403 : memref<1x64x128xf32, #tpu.memory_space<vmem>> -> memref<64x128xf32, #tpu.memory_space<vmem>>
          %gather3A_405 = tpu.vector_load_idx %gather3A_404[%add3A_173, %broadcast_in_dim3A_361] : memref<64x128xf32, #tpu.memory_space<vmem>>[vector<16xi32>, vector<16xi32>], vector<16xf32>,
          %swap3A_406 = arith.index_cast %and3A_251 : i32 to index
          %swap3A_407 = arith.index_cast %while3A_346 : i32 to index
          %swap3A_408 = arith.constant 48 : index
          %swap3A_409 = tpu.vector_load %arg10[%swap3A_406, %swap3A_407, %swap3A_408] {strides = array<i32>} : memref<2x16x64xf32, #tpu.memory_space<vmem>>, vector<16xf32>,
          tpu.vector_store %arg10[%swap3A_406, %swap3A_407, %swap3A_408], %gather3A_405 {strides = array<i32>} : memref<2x16x64xf32, #tpu.memory_space<vmem>>, vector<16xf32>,
          %mul3A_410 = arith.constant 64 : i32
          %mul3A_411 = arith.muli %reduce_max3A_375, %mul3A_410 : i32
          %multiple_of3A_412 = tpu.assume_multiple %mul3A_411, 64 : i32
          %dma_start3A_413 = arith.constant 0 : i32
          %dma_start3A_414 = tpu.memref_slice %arg10[%and3A_251, %while3A_346, %dma_start3A_413] : memref<2x16x64xf32, #tpu.memory_space<vmem>> -> memref<1x1x64xf32, #tpu.memory_space<vmem>>
          %dma_start3A_415 = tpu.memref_squeeze %dma_start3A_414 : memref<1x1x64xf32, #tpu.memory_space<vmem>> -> memref<64xf32, #tpu.memory_space<vmem>>
          %dma_start3A_416 = tpu.memref_slice %arg4[%multiple_of3A_412] : memref<1048576xf32, #tpu.memory_space<hbm>> -> memref<64xf32, #tpu.memory_space<hbm>>
          %dma_start3A_417 = tpu.memref_slice %arg12[%and3A_251] : memref<2x!tpu.dma_semaphore, #tpu.memory_space<semaphore_mem>> -> memref<1x!tpu.dma_semaphore, #tpu.memory_space<semaphore_mem>>
          %dma_start3A_418 = tpu.memref_squeeze %dma_start3A_417 : memref<1x!tpu.dma_semaphore, #tpu.memory_space<semaphore_mem>> -> memref<!tpu.dma_semaphore, #tpu.memory_space<semaphore_mem>>
          %dma_start3A_419 = tpu.memref_slice %arg4[%multiple_of3A_412] : memref<1048576xf32, #tpu.memory_space<hbm>> -> memref<64xf32, #tpu.memory_space<hbm>>
          %dma_start3A_420 = arith.constant 0 : i32
          %dma_start3A_421 = tpu.memref_slice %arg10[%and3A_251, %while3A_346, %dma_start3A_420] : memref<2x16x64xf32, #tpu.memory_space<vmem>> -> memref<1x1x64xf32, #tpu.memory_space<vmem>>
          %dma_start3A_422 = tpu.memref_squeeze %dma_start3A_421 : memref<1x1x64xf32, #tpu.memory_space<vmem>> -> memref<64xf32, #tpu.memory_space<vmem>>
          tpu.enqueue_dma source(%dma_start3A_422 : memref<64xf32, #tpu.memory_space<vmem>>) target(%dma_start3A_419 : memref<64xf32, #tpu.memory_space<hbm>>) target_semaphore(%dma_start3A_418 : memref<!tpu.dma_semaphore, #tpu.memory_space<semaphore_mem>>)
        }
      } else {
      }
    }
    %while3A_182 = arith.constant 1 : i32
    scf.for %while3A_249 = %while3A_180 to %while3A_176 step %while3A_182  : i32 {
      %and3A_250 = arith.constant 1 : i32
      %and3A_251 = arith.andi %while3A_249, %and3A_250 : i32
      %add3A_252 = arith.constant 8 : i32
      %add3A_253 = arith.addi %while3A_249, %add3A_252 : i32
      %sub3A_254 = arith.constant 1 : i32
      %sub3A_255 = arith.subi %add3A_253, %sub3A_254 : i32
      %lt3A = arith.cmpi slt, %sub3A_255, %sub3A : i32
      %add3A_256 = arith.constant 8 : i32
      %add3A_257 = arith.addi %while3A_249, %add3A_256 : i32
      %sub3A_258 = arith.constant 1 : i32
      %sub3A_259 = arith.subi %add3A_257, %sub3A_258 : i32
      %shift_right_arithmetic3A_260 = arith.constant 4 : i32
      %shift_right_arithmetic3A_261 = arith.shrsi %sub3A_259, %shift_right_arithmetic3A_260 : i32
      %mul3A_262 = arith.constant 16 : i32
      %mul3A_263 = arith.muli %shift_right_arithmetic3A_261, %mul3A_262 : i32
      %get3A_264 = arith.index_cast %mul3A_263 : i32 to index
      %get3A_265 = tpu.vector_load %arg8[%get3A_264] {strides = array<i32>} : memref<256xi32, #tpu.memory_space<vmem>>, vector<16xi32>,
      %and3A_266 = arith.constant 15 : i32
      %and3A_267 = arith.andi %sub3A_259, %and3A_266 : i32
      %iota3A_268 = tpu.iota {dimensions = array<i32: 0>} : vector<16xi32>
      %eq3A_269 = vector.broadcast %and3A_267 : i32 to vector<16xi32>
      %eq3A_270 = arith.cmpi eq, %iota3A_268, %eq3A_269 : vector<16xi32>
      %jit3A_271 = arith.constant 0 : i32
      %broadcast_in_dim3A_272 = vector.broadcast %jit3A_271 : i32 to vector<16xi32>
      %select_n3A_273 = arith.select %eq3A_270, %get3A_265, %broadcast_in_dim3A_272 : vector<16xi1>, vector<16xi32>
      %reduce_max3A_274 = arith.constant true
      %reduce_max3A_275 = vector.broadcast %reduce_max3A_274 : i1 to vector<16xi1>
      %reduce_max3A_276 = arith.constant -2147483648 : i32
      %reduce_max3A_277 = vector.broadcast %reduce_max3A_276 : i32 to vector<16xi32>
      %reduce_max3A_278 = arith.xori %select_n3A_273, %reduce_max3A_277 : vector<16xi32>
      %reduce_max3A_279 = tpu.scan <max>, %reduce_max3A_278 masked %reduce_max3A_275 : vector<16xi32>, vector<16xi1> -> vector<16xi32>
      %reduce_max3A_280 = arith.xori %reduce_max3A_279, %reduce_max3A_277 : vector<16xi32>
      %reduce_max3A_281 = vector.extract %reduce_max3A_280[15] : i32 from vector<16xi32>
      %gt3A = arith.constant 0 : i32
      %gt3A_282 = arith.cmpi sgt, %reduce_max3A_281, %gt3A : i32
      %and3A_283 = arith.andi %lt3A, %gt3A_282 : i1
      %convert_element_type3A = arith.extui %and3A_283 : i1 to i32
      %cond3A = arith.constant 0 : i32
      %cond3A_284 = arith.cmpi ne, %convert_element_type3A, %cond3A : i32
      scf.if %cond3A_284 {
        %add3A_323 = arith.constant 8 : i32
        %add3A_324 = arith.addi %while3A_249, %add3A_323 : i32
        %sub3A_325 = arith.constant 1 : i32
        %sub3A_326 = arith.subi %add3A_324, %sub3A_325 : i32
        %add3A_327 = arith.addi %mul3A_2, %sub3A_326 : i32
        %mul3A_328 = arith.constant 128 : i32
        %mul3A_329 = arith.muli %add3A_327, %mul3A_328 : i32
        %multiple_of3A_330 = tpu.assume_multiple %mul3A_329, 128 : i32
        %and3A_331 = arith.constant 7 : i32
        %and3A_332 = arith.andi %sub3A_326, %and3A_331 : i32
        %and3A_333 = arith.constant 7 : i32
        %and3A_334 = arith.andi %sub3A_326, %and3A_333 : i32
        %dma_start3A_335 = arith.constant 0 : i32
        %dma_start3A_336 = arith.constant 0 : i32
        %dma_start3A_337 = tpu.memref_slice %arg9[%and3A_332, %dma_start3A_335, %dma_start3A_336] : memref<8x64x128xf32, #tpu.memory_space<vmem>> -> memref<1x64x128xf32, #tpu.memory_space<vmem>>
        %dma_start3A_338 = tpu.memref_squeeze %dma_start3A_337 : memref<1x64x128xf32, #tpu.memory_space<vmem>> -> memref<64x128xf32, #tpu.memory_space<vmem>>
        %dma_start3A_339 = arith.constant 0 : i32
        %dma_start3A_340 = tpu.memref_slice %arg3[%dma_start3A_339, %multiple_of3A_330] : memref<64x1000000xf32, #tpu.memory_space<hbm>> -> memref<64x128xf32, #tpu.memory_space<hbm>>
        %dma_start3A_341 = tpu.memref_slice %arg11[%and3A_334] : memref<8x!tpu.dma_semaphore, #tpu.memory_space<semaphore_mem>> -> memref<1x!tpu.dma_semaphore, #tpu.memory_space<semaphore_mem>>
        %dma_start3A_342 = tpu.memref_squeeze %dma_start3A_341 : memref<1x!tpu.dma_semaphore, #tpu.memory_space<semaphore_mem>> -> memref<!tpu.dma_semaphore, #tpu.memory_space<semaphore_mem>>
        %dma_start3A_343 = arith.constant 0 : i32
        %dma_start3A_344 = arith.constant 0 : i32
        %dma_start3A_345 = tpu.memref_slice %arg9[%and3A_332, %dma_start3A_343, %dma_start3A_344] : memref<8x64x128xf32, #tpu.memory_space<vmem>> -> memref<1x64x128xf32, #tpu.memory_space<vmem>>
        %dma_start3A_346 = tpu.memref_squeeze %dma_start3A_345 : memref<1x64x128xf32, #tpu.memory_space<vmem>> -> memref<64x128xf32, #tpu.memory_space<vmem>>
        %dma_start3A_347 = arith.constant 0 : i32
        %dma_start3A_348 = tpu.memref_slice %arg3[%dma_start3A_347, %multiple_of3A_330] : memref<64x1000000xf32, #tpu.memory_space<hbm>> -> memref<64x128xf32, #tpu.memory_space<hbm>>
        tpu.enqueue_dma source(%dma_start3A_348 : memref<64x128xf32, #tpu.memory_space<hbm>>) target(%dma_start3A_346 : memref<64x128xf32, #tpu.memory_space<vmem>>) target_semaphore(%dma_start3A_342 : memref<!tpu.dma_semaphore, #tpu.memory_space<semaphore_mem>>)
      } else {
      }
      %shift_right_arithmetic3A_285 = arith.constant 4 : i32
      %shift_right_arithmetic3A_286 = arith.shrsi %while3A_249, %shift_right_arithmetic3A_285 : i32
      %mul3A_287 = arith.constant 16 : i32
      %mul3A_288 = arith.muli %shift_right_arithmetic3A_286, %mul3A_287 : i32
      %get3A_289 = arith.index_cast %mul3A_288 : i32 to index
      %get3A_290 = tpu.vector_load %arg8[%get3A_289] {strides = array<i32>} : memref<256xi32, #tpu.memory_space<vmem>>, vector<16xi32>,
      %and3A_291 = arith.constant 15 : i32
      %and3A_292 = arith.andi %while3A_249, %and3A_291 : i32
      %iota3A_293 = tpu.iota {dimensions = array<i32: 0>} : vector<16xi32>
      %eq3A_294 = vector.broadcast %and3A_292 : i32 to vector<16xi32>
      %eq3A_295 = arith.cmpi eq, %iota3A_293, %eq3A_294 : vector<16xi32>
      %jit3A_296 = arith.constant 0 : i32
      %broadcast_in_dim3A_297 = vector.broadcast %jit3A_296 : i32 to vector<16xi32>
      %select_n3A_298 = arith.select %eq3A_295, %get3A_290, %broadcast_in_dim3A_297 : vector<16xi1>, vector<16xi32>
      %reduce_max3A_299 = arith.constant true
      %reduce_max3A_300 = vector.broadcast %reduce_max3A_299 : i1 to vector<16xi1>
      %reduce_max3A_301 = arith.constant -2147483648 : i32
      %reduce_max3A_302 = vector.broadcast %reduce_max3A_301 : i32 to vector<16xi32>
      %reduce_max3A_303 = arith.xori %select_n3A_298, %reduce_max3A_302 : vector<16xi32>
      %reduce_max3A_304 = tpu.scan <max>, %reduce_max3A_303 masked %reduce_max3A_300 : vector<16xi32>, vector<16xi1> -> vector<16xi32>
      %reduce_max3A_305 = arith.xori %reduce_max3A_304, %reduce_max3A_302 : vector<16xi32>
      %reduce_max3A_306 = vector.extract %reduce_max3A_305[15] : i32 from vector<16xi32>
      %lt3A_307 = arith.constant 7 : i32
      %lt3A_308 = arith.cmpi slt, %while3A_249, %lt3A_307 : i32
      %gt3A_309 = arith.constant 0 : i32
      %gt3A_310 = arith.cmpi sgt, %reduce_max3A_306, %gt3A_309 : i32
      %or3A = arith.ori %lt3A_308, %gt3A_310 : i1
      %convert_element_type3A_311 = arith.extui %or3A : i1 to i32
      %cond3A_312 = arith.constant 0 : i32
      %cond3A_313 = arith.cmpi ne, %convert_element_type3A_311, %cond3A_312 : i32
      scf.if %cond3A_313 {
        %and3A_323 = arith.constant 7 : i32
        %and3A_324 = arith.andi %while3A_249, %and3A_323 : i32
        %and3A_325 = arith.constant 7 : i32
        %and3A_326 = arith.andi %while3A_249, %and3A_325 : i32
        %dma_wait3A = arith.constant 0 : i32
        %dma_wait3A_327 = arith.constant 0 : i32
        %dma_wait3A_328 = tpu.memref_slice %arg9[%and3A_324, %dma_wait3A, %dma_wait3A_327] : memref<8x64x128xf32, #tpu.memory_space<vmem>> -> memref<1x64x128xf32, #tpu.memory_space<vmem>>
        %dma_wait3A_329 = tpu.memref_squeeze %dma_wait3A_328 : memref<1x64x128xf32, #tpu.memory_space<vmem>> -> memref<64x128xf32, #tpu.memory_space<vmem>>
        %dma_wait3A_330 = arith.constant 0 : i32
        %dma_wait3A_331 = arith.constant 0 : i32
        %dma_wait3A_332 = tpu.memref_slice %arg3[%dma_wait3A_330, %dma_wait3A_331] : memref<64x1000000xf32, #tpu.memory_space<hbm>> -> memref<64x128xf32, #tpu.memory_space<hbm>>
        %dma_wait3A_333 = tpu.memref_slice %arg11[%and3A_326] : memref<8x!tpu.dma_semaphore, #tpu.memory_space<semaphore_mem>> -> memref<1x!tpu.dma_semaphore, #tpu.memory_space<semaphore_mem>>
        %dma_wait3A_334 = tpu.memref_squeeze %dma_wait3A_333 : memref<1x!tpu.dma_semaphore, #tpu.memory_space<semaphore_mem>> -> memref<!tpu.dma_semaphore, #tpu.memory_space<semaphore_mem>>
        %dma_wait3A_335 = arith.constant 0 : i32
        %dma_wait3A_336 = arith.constant 0 : i32
        %dma_wait3A_337 = tpu.memref_slice %arg9[%and3A_324, %dma_wait3A_335, %dma_wait3A_336] : memref<8x64x128xf32, #tpu.memory_space<vmem>> -> memref<1x64x128xf32, #tpu.memory_space<vmem>>
        %dma_wait3A_338 = tpu.memref_squeeze %dma_wait3A_337 : memref<1x64x128xf32, #tpu.memory_space<vmem>> -> memref<64x128xf32, #tpu.memory_space<vmem>>
        %dma_wait3A_339 = arith.constant 0 : i32
        %dma_wait3A_340 = arith.constant 0 : i32
        %dma_wait3A_341 = tpu.memref_slice %arg3[%dma_wait3A_339, %dma_wait3A_340] : memref<64x1000000xf32, #tpu.memory_space<hbm>> -> memref<64x128xf32, #tpu.memory_space<hbm>>
        tpu.wait_dma2 semaphore(%dma_wait3A_334 : memref<!tpu.dma_semaphore, #tpu.memory_space<semaphore_mem>>) src(%dma_wait3A_341 : memref<64x128xf32, #tpu.memory_space<hbm>>) dst(%dma_wait3A_338 : memref<64x128xf32, #tpu.memory_space<vmem>>)
      } else {
      }
      %ge3A = arith.constant 2 : i32
      %ge3A_314 = arith.cmpi sge, %while3A_249, %ge3A : i32
      %convert_element_type3A_315 = arith.extui %ge3A_314 : i1 to i32
      %cond3A_316 = arith.constant 0 : i32
      %cond3A_317 = arith.cmpi ne, %convert_element_type3A_315, %cond3A_316 : i32
      scf.if %cond3A_317 {
        %sub3A_323 = arith.constant 2 : i32
        %sub3A_324 = arith.subi %while3A_249, %sub3A_323 : i32
        %shift_right_arithmetic3A_325 = arith.constant 4 : i32
        %shift_right_arithmetic3A_326 = arith.shrsi %sub3A_324, %shift_right_arithmetic3A_325 : i32
        %mul3A_327 = arith.constant 16 : i32
        %mul3A_328 = arith.muli %shift_right_arithmetic3A_326, %mul3A_327 : i32
        %get3A_329 = arith.index_cast %mul3A_328 : i32 to index
        %get3A_330 = tpu.vector_load %arg8[%get3A_329] {strides = array<i32>} : memref<256xi32, #tpu.memory_space<vmem>>, vector<16xi32>,
        %and3A_331 = arith.constant 15 : i32
        %and3A_332 = arith.andi %sub3A_324, %and3A_331 : i32
        %iota3A_333 = tpu.iota {dimensions = array<i32: 0>} : vector<16xi32>
        %eq3A_334 = vector.broadcast %and3A_332 : i32 to vector<16xi32>
        %eq3A_335 = arith.cmpi eq, %iota3A_333, %eq3A_334 : vector<16xi32>
        %jit3A_336 = arith.constant 0 : i32
        %broadcast_in_dim3A_337 = vector.broadcast %jit3A_336 : i32 to vector<16xi32>
        %select_n3A_338 = arith.select %eq3A_335, %get3A_330, %broadcast_in_dim3A_337 : vector<16xi1>, vector<16xi32>
        %reduce_max3A_339 = arith.constant true
        %reduce_max3A_340 = vector.broadcast %reduce_max3A_339 : i1 to vector<16xi1>
        %reduce_max3A_341 = arith.constant -2147483648 : i32
        %reduce_max3A_342 = vector.broadcast %reduce_max3A_341 : i32 to vector<16xi32>
        %reduce_max3A_343 = arith.xori %select_n3A_338, %reduce_max3A_342 : vector<16xi32>
        %reduce_max3A_344 = tpu.scan <max>, %reduce_max3A_343 masked %reduce_max3A_340 : vector<16xi32>, vector<16xi1> -> vector<16xi32>
        %reduce_max3A_345 = arith.xori %reduce_max3A_344, %reduce_max3A_342 : vector<16xi32>
        %reduce_max3A_346 = vector.extract %reduce_max3A_345[15] : i32 from vector<16xi32>
        %while3A_347 = arith.constant 0 : i32
        %while3A_348 = arith.constant 0 : i32
        %while3A_349 = arith.subi %reduce_max3A_346, %while3A_348 : i32
        %while3A_350 = arith.addi %while3A_348, %while3A_349 : i32
        %while3A_351 = arith.constant 1 : i32
        %while3A_352 = arith.divsi %while3A_349, %while3A_351 : i32
        %while3A_353 = arith.muli %while3A_352, %while3A_351 : i32
        %while3A_354 = arith.addi %while3A_348, %while3A_353 : i32
        %while3A_355 = arith.constant 1 : i32
        scf.for %while3A_357 = %while3A_348 to %while3A_354 step %while3A_355  : i32 {
          %dma_wait3A = arith.constant 0 : i32
          %dma_wait3A_358 = arith.constant 0 : i32
          %dma_wait3A_359 = tpu.memref_slice %arg10[%and3A_251, %dma_wait3A, %dma_wait3A_358] : memref<2x16x64xf32, #tpu.memory_space<vmem>> -> memref<1x1x64xf32, #tpu.memory_space<vmem>>
          %dma_wait3A_360 = tpu.memref_squeeze %dma_wait3A_359 : memref<1x1x64xf32, #tpu.memory_space<vmem>> -> memref<64xf32, #tpu.memory_space<vmem>>
          %dma_wait3A_361 = arith.constant 0 : i32
          %dma_wait3A_362 = tpu.memref_slice %arg4[%dma_wait3A_361] : memref<1048576xf32, #tpu.memory_space<hbm>> -> memref<64xf32, #tpu.memory_space<hbm>>
          %dma_wait3A_363 = tpu.memref_slice %arg12[%and3A_251] : memref<2x!tpu.dma_semaphore, #tpu.memory_space<semaphore_mem>> -> memref<1x!tpu.dma_semaphore, #tpu.memory_space<semaphore_mem>>
          %dma_wait3A_364 = tpu.memref_squeeze %dma_wait3A_363 : memref<1x!tpu.dma_semaphore, #tpu.memory_space<semaphore_mem>> -> memref<!tpu.dma_semaphore, #tpu.memory_space<semaphore_mem>>
          %dma_wait3A_365 = arith.constant 0 : i32
          %dma_wait3A_366 = tpu.memref_slice %arg10[%and3A_251, %dma_wait3A, %dma_wait3A_365] : memref<2x16x64xf32, #tpu.memory_space<vmem>> -> memref<1x1x64xf32, #tpu.memory_space<vmem>>
          %dma_wait3A_367 = tpu.memref_squeeze %dma_wait3A_366 : memref<1x1x64xf32, #tpu.memory_space<vmem>> -> memref<64xf32, #tpu.memory_space<vmem>>
          %dma_wait3A_368 = arith.constant 0 : i32
          %dma_wait3A_369 = tpu.memref_slice %arg4[%dma_wait3A_368] : memref<1048576xf32, #tpu.memory_space<hbm>> -> memref<64xf32, #tpu.memory_space<hbm>>
          tpu.wait_dma2 semaphore(%dma_wait3A_364 : memref<!tpu.dma_semaphore, #tpu.memory_space<semaphore_mem>>) src(%dma_wait3A_369 : memref<64xf32, #tpu.memory_space<hbm>>) dst(%dma_wait3A_367 : memref<64xf32, #tpu.memory_space<vmem>>)
        }
        %while3A_356 = arith.constant 1 : i32
        scf.for %while3A_357 = %while3A_354 to %while3A_350 step %while3A_356  : i32 {
          %dma_wait3A = arith.constant 0 : i32
          %dma_wait3A_358 = arith.constant 0 : i32
          %dma_wait3A_359 = tpu.memref_slice %arg10[%and3A_251, %dma_wait3A, %dma_wait3A_358] : memref<2x16x64xf32, #tpu.memory_space<vmem>> -> memref<1x1x64xf32, #tpu.memory_space<vmem>>
          %dma_wait3A_360 = tpu.memref_squeeze %dma_wait3A_359 : memref<1x1x64xf32, #tpu.memory_space<vmem>> -> memref<64xf32, #tpu.memory_space<vmem>>
          %dma_wait3A_361 = arith.constant 0 : i32
          %dma_wait3A_362 = tpu.memref_slice %arg4[%dma_wait3A_361] : memref<1048576xf32, #tpu.memory_space<hbm>> -> memref<64xf32, #tpu.memory_space<hbm>>
          %dma_wait3A_363 = tpu.memref_slice %arg12[%and3A_251] : memref<2x!tpu.dma_semaphore, #tpu.memory_space<semaphore_mem>> -> memref<1x!tpu.dma_semaphore, #tpu.memory_space<semaphore_mem>>
          %dma_wait3A_364 = tpu.memref_squeeze %dma_wait3A_363 : memref<1x!tpu.dma_semaphore, #tpu.memory_space<semaphore_mem>> -> memref<!tpu.dma_semaphore, #tpu.memory_space<semaphore_mem>>
          %dma_wait3A_365 = arith.constant 0 : i32
          %dma_wait3A_366 = tpu.memref_slice %arg10[%and3A_251, %dma_wait3A, %dma_wait3A_365] : memref<2x16x64xf32, #tpu.memory_space<vmem>> -> memref<1x1x64xf32, #tpu.memory_space<vmem>>
          %dma_wait3A_367 = tpu.memref_squeeze %dma_wait3A_366 : memref<1x1x64xf32, #tpu.memory_space<vmem>> -> memref<64xf32, #tpu.memory_space<vmem>>
          %dma_wait3A_368 = arith.constant 0 : i32
          %dma_wait3A_369 = tpu.memref_slice %arg4[%dma_wait3A_368] : memref<1048576xf32, #tpu.memory_space<hbm>> -> memref<64xf32, #tpu.memory_space<hbm>>
          tpu.wait_dma2 semaphore(%dma_wait3A_364 : memref<!tpu.dma_semaphore, #tpu.memory_space<semaphore_mem>>) src(%dma_wait3A_369 : memref<64xf32, #tpu.memory_space<hbm>>) dst(%dma_wait3A_367 : memref<64xf32, #tpu.memory_space<vmem>>)
        }
      } else {
      }
      %gt3A_318 = arith.constant 0 : i32
      %gt3A_319 = arith.cmpi sgt, %reduce_max3A_306, %gt3A_318 : i32
      %convert_element_type3A_320 = arith.extui %gt3A_319 : i1 to i32
      %cond3A_321 = arith.constant 0 : i32
      %cond3A_322 = arith.cmpi ne, %convert_element_type3A_320, %cond3A_321 : i32
      scf.if %cond3A_322 {
        %and3A_323 = arith.constant 7 : i32
        %and3A_324 = arith.andi %while3A_249, %and3A_323 : i32
        %mul3A_325 = arith.constant 16 : i32
        %mul3A_326 = arith.muli %while3A_249, %mul3A_325 : i32
        %get3A_327 = arith.index_cast %mul3A_326 : i32 to index
        %get3A_328 = tpu.vector_load %arg6[%get3A_327] {strides = array<i32>} : memref<4096xi32, #tpu.memory_space<vmem>>, vector<16xi32>,
        %mul3A_329 = arith.constant 16 : i32
        %mul3A_330 = arith.muli %while3A_249, %mul3A_329 : i32
        %get3A_331 = arith.index_cast %mul3A_330 : i32 to index
        %get3A_332 = tpu.vector_load %arg7[%get3A_331] {strides = array<i32>} : memref<4096xi32, #tpu.memory_space<vmem>>, vector<16xi32>,
        %and3A_333 = arith.constant 127 : i32
        %and3A_334 = vector.broadcast %and3A_333 : i32 to vector<16xi32>
        %and3A_335 = arith.andi %get3A_328, %and3A_334 : vector<16xi32>
        %while3A_336 = arith.constant 0 : i32
        %while3A_337 = arith.constant 0 : i32
        %while3A_338 = arith.subi %reduce_max3A_306, %while3A_337 : i32
        %while3A_339 = arith.addi %while3A_337, %while3A_338 : i32
        %while3A_340 = arith.constant 1 : i32
        %while3A_341 = arith.divsi %while3A_338, %while3A_340 : i32
        %while3A_342 = arith.muli %while3A_341, %while3A_340 : i32
        %while3A_343 = arith.addi %while3A_337, %while3A_342 : i32
        %while3A_344 = arith.constant 1 : i32
        scf.for %while3A_346 = %while3A_337 to %while3A_343 step %while3A_344  : i32 {
          %iota3A_347 = tpu.iota {dimensions = array<i32: 0>} : vector<16xi32>
          %eq3A_348 = vector.broadcast %while3A_346 : i32 to vector<16xi32>
          %eq3A_349 = arith.cmpi eq, %iota3A_347, %eq3A_348 : vector<16xi32>
          %jit3A_350 = arith.constant 0 : i32
          %broadcast_in_dim3A_351 = vector.broadcast %jit3A_350 : i32 to vector<16xi32>
          %select_n3A_352 = arith.select %eq3A_349, %and3A_335, %broadcast_in_dim3A_351 : vector<16xi1>, vector<16xi32>
          %reduce_max3A_353 = arith.constant true
          %reduce_max3A_354 = vector.broadcast %reduce_max3A_353 : i1 to vector<16xi1>
          %reduce_max3A_355 = arith.constant -2147483648 : i32
          %reduce_max3A_356 = vector.broadcast %reduce_max3A_355 : i32 to vector<16xi32>
          %reduce_max3A_357 = arith.xori %select_n3A_352, %reduce_max3A_356 : vector<16xi32>
          %reduce_max3A_358 = tpu.scan <max>, %reduce_max3A_357 masked %reduce_max3A_354 : vector<16xi32>, vector<16xi1> -> vector<16xi32>
          %reduce_max3A_359 = arith.xori %reduce_max3A_358, %reduce_max3A_356 : vector<16xi32>
          %reduce_max3A_360 = vector.extract %reduce_max3A_359[15] : i32 from vector<16xi32>
          %broadcast_in_dim3A_361 = vector.broadcast %reduce_max3A_360 : i32 to vector<16xi32>
          %iota3A_362 = tpu.iota {dimensions = array<i32: 0>} : vector<16xi32>
          %eq3A_363 = vector.broadcast %while3A_346 : i32 to vector<16xi32>
          %eq3A_364 = arith.cmpi eq, %iota3A_362, %eq3A_363 : vector<16xi32>
          %jit3A_365 = arith.constant 0 : i32
          %broadcast_in_dim3A_366 = vector.broadcast %jit3A_365 : i32 to vector<16xi32>
          %select_n3A_367 = arith.select %eq3A_364, %get3A_332, %broadcast_in_dim3A_366 : vector<16xi1>, vector<16xi32>
          %reduce_max3A_368 = arith.constant true
          %reduce_max3A_369 = vector.broadcast %reduce_max3A_368 : i1 to vector<16xi1>
          %reduce_max3A_370 = arith.constant -2147483648 : i32
          %reduce_max3A_371 = vector.broadcast %reduce_max3A_370 : i32 to vector<16xi32>
          %reduce_max3A_372 = arith.xori %select_n3A_367, %reduce_max3A_371 : vector<16xi32>
          %reduce_max3A_373 = tpu.scan <max>, %reduce_max3A_372 masked %reduce_max3A_369 : vector<16xi32>, vector<16xi1> -> vector<16xi32>
          %reduce_max3A_374 = arith.xori %reduce_max3A_373, %reduce_max3A_371 : vector<16xi32>
          %reduce_max3A_375 = vector.extract %reduce_max3A_374[15] : i32 from vector<16xi32>
          %gather3A = arith.constant 0 : i32
          %gather3A_376 = arith.constant 0 : i32
          %gather3A_377 = tpu.memref_slice %arg9[%and3A_324, %gather3A, %gather3A_376] : memref<8x64x128xf32, #tpu.memory_space<vmem>> -> memref<1x64x128xf32, #tpu.memory_space<vmem>>
          %gather3A_378 = tpu.memref_squeeze %gather3A_377 : memref<1x64x128xf32, #tpu.memory_space<vmem>> -> memref<64x128xf32, #tpu.memory_space<vmem>>
          %gather3A_379 = tpu.vector_load_idx %gather3A_378[%add3A_164, %broadcast_in_dim3A_361] : memref<64x128xf32, #tpu.memory_space<vmem>>[vector<16xi32>, vector<16xi32>], vector<16xf32>,
          %swap3A = arith.index_cast %and3A_251 : i32 to index
          %swap3A_380 = arith.index_cast %while3A_346 : i32 to index
          %swap3A_381 = arith.constant 0 : index
          %swap3A_382 = tpu.vector_load %arg10[%swap3A, %swap3A_380, %swap3A_381] {strides = array<i32>} : memref<2x16x64xf32, #tpu.memory_space<vmem>>, vector<16xf32>,
          tpu.vector_store %arg10[%swap3A, %swap3A_380, %swap3A_381], %gather3A_379 {strides = array<i32>} : memref<2x16x64xf32, #tpu.memory_space<vmem>>, vector<16xf32>,
          %gather3A_383 = arith.constant 0 : i32
          %gather3A_384 = arith.constant 0 : i32
          %gather3A_385 = tpu.memref_slice %arg9[%and3A_324, %gather3A_383, %gather3A_384] : memref<8x64x128xf32, #tpu.memory_space<vmem>> -> memref<1x64x128xf32, #tpu.memory_space<vmem>>
          %gather3A_386 = tpu.memref_squeeze %gather3A_385 : memref<1x64x128xf32, #tpu.memory_space<vmem>> -> memref<64x128xf32, #tpu.memory_space<vmem>>
          %gather3A_387 = tpu.vector_load_idx %gather3A_386[%add3A_167, %broadcast_in_dim3A_361] : memref<64x128xf32, #tpu.memory_space<vmem>>[vector<16xi32>, vector<16xi32>], vector<16xf32>,
          %swap3A_388 = arith.index_cast %and3A_251 : i32 to index
          %swap3A_389 = arith.index_cast %while3A_346 : i32 to index
          %swap3A_390 = arith.constant 16 : index
          %swap3A_391 = tpu.vector_load %arg10[%swap3A_388, %swap3A_389, %swap3A_390] {strides = array<i32>} : memref<2x16x64xf32, #tpu.memory_space<vmem>>, vector<16xf32>,
          tpu.vector_store %arg10[%swap3A_388, %swap3A_389, %swap3A_390], %gather3A_387 {strides = array<i32>} : memref<2x16x64xf32, #tpu.memory_space<vmem>>, vector<16xf32>,
          %gather3A_392 = arith.constant 0 : i32
          %gather3A_393 = arith.constant 0 : i32
          %gather3A_394 = tpu.memref_slice %arg9[%and3A_324, %gather3A_392, %gather3A_393] : memref<8x64x128xf32, #tpu.memory_space<vmem>> -> memref<1x64x128xf32, #tpu.memory_space<vmem>>
          %gather3A_395 = tpu.memref_squeeze %gather3A_394 : memref<1x64x128xf32, #tpu.memory_space<vmem>> -> memref<64x128xf32, #tpu.memory_space<vmem>>
          %gather3A_396 = tpu.vector_load_idx %gather3A_395[%add3A_170, %broadcast_in_dim3A_361] : memref<64x128xf32, #tpu.memory_space<vmem>>[vector<16xi32>, vector<16xi32>], vector<16xf32>,
          %swap3A_397 = arith.index_cast %and3A_251 : i32 to index
          %swap3A_398 = arith.index_cast %while3A_346 : i32 to index
          %swap3A_399 = arith.constant 32 : index
          %swap3A_400 = tpu.vector_load %arg10[%swap3A_397, %swap3A_398, %swap3A_399] {strides = array<i32>} : memref<2x16x64xf32, #tpu.memory_space<vmem>>, vector<16xf32>,
          tpu.vector_store %arg10[%swap3A_397, %swap3A_398, %swap3A_399], %gather3A_396 {strides = array<i32>} : memref<2x16x64xf32, #tpu.memory_space<vmem>>, vector<16xf32>,
          %gather3A_401 = arith.constant 0 : i32
          %gather3A_402 = arith.constant 0 : i32
          %gather3A_403 = tpu.memref_slice %arg9[%and3A_324, %gather3A_401, %gather3A_402] : memref<8x64x128xf32, #tpu.memory_space<vmem>> -> memref<1x64x128xf32, #tpu.memory_space<vmem>>
          %gather3A_404 = tpu.memref_squeeze %gather3A_403 : memref<1x64x128xf32, #tpu.memory_space<vmem>> -> memref<64x128xf32, #tpu.memory_space<vmem>>
          %gather3A_405 = tpu.vector_load_idx %gather3A_404[%add3A_173, %broadcast_in_dim3A_361] : memref<64x128xf32, #tpu.memory_space<vmem>>[vector<16xi32>, vector<16xi32>], vector<16xf32>,
          %swap3A_406 = arith.index_cast %and3A_251 : i32 to index
          %swap3A_407 = arith.index_cast %while3A_346 : i32 to index
          %swap3A_408 = arith.constant 48 : index
          %swap3A_409 = tpu.vector_load %arg10[%swap3A_406, %swap3A_407, %swap3A_408] {strides = array<i32>} : memref<2x16x64xf32, #tpu.memory_space<vmem>>, vector<16xf32>,
          tpu.vector_store %arg10[%swap3A_406, %swap3A_407, %swap3A_408], %gather3A_405 {strides = array<i32>} : memref<2x16x64xf32, #tpu.memory_space<vmem>>, vector<16xf32>,
          %mul3A_410 = arith.constant 64 : i32
          %mul3A_411 = arith.muli %reduce_max3A_375, %mul3A_410 : i32
          %multiple_of3A_412 = tpu.assume_multiple %mul3A_411, 64 : i32
          %dma_start3A_413 = arith.constant 0 : i32
          %dma_start3A_414 = tpu.memref_slice %arg10[%and3A_251, %while3A_346, %dma_start3A_413] : memref<2x16x64xf32, #tpu.memory_space<vmem>> -> memref<1x1x64xf32, #tpu.memory_space<vmem>>
          %dma_start3A_415 = tpu.memref_squeeze %dma_start3A_414 : memref<1x1x64xf32, #tpu.memory_space<vmem>> -> memref<64xf32, #tpu.memory_space<vmem>>
          %dma_start3A_416 = tpu.memref_slice %arg4[%multiple_of3A_412] : memref<1048576xf32, #tpu.memory_space<hbm>> -> memref<64xf32, #tpu.memory_space<hbm>>
          %dma_start3A_417 = tpu.memref_slice %arg12[%and3A_251] : memref<2x!tpu.dma_semaphore, #tpu.memory_space<semaphore_mem>> -> memref<1x!tpu.dma_semaphore, #tpu.memory_space<semaphore_mem>>
          %dma_start3A_418 = tpu.memref_squeeze %dma_start3A_417 : memref<1x!tpu.dma_semaphore, #tpu.memory_space<semaphore_mem>> -> memref<!tpu.dma_semaphore, #tpu.memory_space<semaphore_mem>>
          %dma_start3A_419 = tpu.memref_slice %arg4[%multiple_of3A_412] : memref<1048576xf32, #tpu.memory_space<hbm>> -> memref<64xf32, #tpu.memory_space<hbm>>
          %dma_start3A_420 = arith.constant 0 : i32
          %dma_start3A_421 = tpu.memref_slice %arg10[%and3A_251, %while3A_346, %dma_start3A_420] : memref<2x16x64xf32, #tpu.memory_space<vmem>> -> memref<1x1x64xf32, #tpu.memory_space<vmem>>
          %dma_start3A_422 = tpu.memref_squeeze %dma_start3A_421 : memref<1x1x64xf32, #tpu.memory_space<vmem>> -> memref<64xf32, #tpu.memory_space<vmem>>
          tpu.enqueue_dma source(%dma_start3A_422 : memref<64xf32, #tpu.memory_space<vmem>>) target(%dma_start3A_419 : memref<64xf32, #tpu.memory_space<hbm>>) target_semaphore(%dma_start3A_418 : memref<!tpu.dma_semaphore, #tpu.memory_space<semaphore_mem>>)
        }
        %while3A_345 = arith.constant 1 : i32
        scf.for %while3A_346 = %while3A_343 to %while3A_339 step %while3A_345  : i32 {
          %iota3A_347 = tpu.iota {dimensions = array<i32: 0>} : vector<16xi32>
          %eq3A_348 = vector.broadcast %while3A_346 : i32 to vector<16xi32>
          %eq3A_349 = arith.cmpi eq, %iota3A_347, %eq3A_348 : vector<16xi32>
          %jit3A_350 = arith.constant 0 : i32
          %broadcast_in_dim3A_351 = vector.broadcast %jit3A_350 : i32 to vector<16xi32>
          %select_n3A_352 = arith.select %eq3A_349, %and3A_335, %broadcast_in_dim3A_351 : vector<16xi1>, vector<16xi32>
          %reduce_max3A_353 = arith.constant true
          %reduce_max3A_354 = vector.broadcast %reduce_max3A_353 : i1 to vector<16xi1>
          %reduce_max3A_355 = arith.constant -2147483648 : i32
          %reduce_max3A_356 = vector.broadcast %reduce_max3A_355 : i32 to vector<16xi32>
          %reduce_max3A_357 = arith.xori %select_n3A_352, %reduce_max3A_356 : vector<16xi32>
          %reduce_max3A_358 = tpu.scan <max>, %reduce_max3A_357 masked %reduce_max3A_354 : vector<16xi32>, vector<16xi1> -> vector<16xi32>
          %reduce_max3A_359 = arith.xori %reduce_max3A_358, %reduce_max3A_356 : vector<16xi32>
          %reduce_max3A_360 = vector.extract %reduce_max3A_359[15] : i32 from vector<16xi32>
          %broadcast_in_dim3A_361 = vector.broadcast %reduce_max3A_360 : i32 to vector<16xi32>
          %iota3A_362 = tpu.iota {dimensions = array<i32: 0>} : vector<16xi32>
          %eq3A_363 = vector.broadcast %while3A_346 : i32 to vector<16xi32>
          %eq3A_364 = arith.cmpi eq, %iota3A_362, %eq3A_363 : vector<16xi32>
          %jit3A_365 = arith.constant 0 : i32
          %broadcast_in_dim3A_366 = vector.broadcast %jit3A_365 : i32 to vector<16xi32>
          %select_n3A_367 = arith.select %eq3A_364, %get3A_332, %broadcast_in_dim3A_366 : vector<16xi1>, vector<16xi32>
          %reduce_max3A_368 = arith.constant true
          %reduce_max3A_369 = vector.broadcast %reduce_max3A_368 : i1 to vector<16xi1>
          %reduce_max3A_370 = arith.constant -2147483648 : i32
          %reduce_max3A_371 = vector.broadcast %reduce_max3A_370 : i32 to vector<16xi32>
          %reduce_max3A_372 = arith.xori %select_n3A_367, %reduce_max3A_371 : vector<16xi32>
          %reduce_max3A_373 = tpu.scan <max>, %reduce_max3A_372 masked %reduce_max3A_369 : vector<16xi32>, vector<16xi1> -> vector<16xi32>
          %reduce_max3A_374 = arith.xori %reduce_max3A_373, %reduce_max3A_371 : vector<16xi32>
          %reduce_max3A_375 = vector.extract %reduce_max3A_374[15] : i32 from vector<16xi32>
          %gather3A = arith.constant 0 : i32
          %gather3A_376 = arith.constant 0 : i32
          %gather3A_377 = tpu.memref_slice %arg9[%and3A_324, %gather3A, %gather3A_376] : memref<8x64x128xf32, #tpu.memory_space<vmem>> -> memref<1x64x128xf32, #tpu.memory_space<vmem>>
          %gather3A_378 = tpu.memref_squeeze %gather3A_377 : memref<1x64x128xf32, #tpu.memory_space<vmem>> -> memref<64x128xf32, #tpu.memory_space<vmem>>
          %gather3A_379 = tpu.vector_load_idx %gather3A_378[%add3A_164, %broadcast_in_dim3A_361] : memref<64x128xf32, #tpu.memory_space<vmem>>[vector<16xi32>, vector<16xi32>], vector<16xf32>,
          %swap3A = arith.index_cast %and3A_251 : i32 to index
          %swap3A_380 = arith.index_cast %while3A_346 : i32 to index
          %swap3A_381 = arith.constant 0 : index
          %swap3A_382 = tpu.vector_load %arg10[%swap3A, %swap3A_380, %swap3A_381] {strides = array<i32>} : memref<2x16x64xf32, #tpu.memory_space<vmem>>, vector<16xf32>,
          tpu.vector_store %arg10[%swap3A, %swap3A_380, %swap3A_381], %gather3A_379 {strides = array<i32>} : memref<2x16x64xf32, #tpu.memory_space<vmem>>, vector<16xf32>,
          %gather3A_383 = arith.constant 0 : i32
          %gather3A_384 = arith.constant 0 : i32
          %gather3A_385 = tpu.memref_slice %arg9[%and3A_324, %gather3A_383, %gather3A_384] : memref<8x64x128xf32, #tpu.memory_space<vmem>> -> memref<1x64x128xf32, #tpu.memory_space<vmem>>
          %gather3A_386 = tpu.memref_squeeze %gather3A_385 : memref<1x64x128xf32, #tpu.memory_space<vmem>> -> memref<64x128xf32, #tpu.memory_space<vmem>>
          %gather3A_387 = tpu.vector_load_idx %gather3A_386[%add3A_167, %broadcast_in_dim3A_361] : memref<64x128xf32, #tpu.memory_space<vmem>>[vector<16xi32>, vector<16xi32>], vector<16xf32>,
          %swap3A_388 = arith.index_cast %and3A_251 : i32 to index
          %swap3A_389 = arith.index_cast %while3A_346 : i32 to index
          %swap3A_390 = arith.constant 16 : index
          %swap3A_391 = tpu.vector_load %arg10[%swap3A_388, %swap3A_389, %swap3A_390] {strides = array<i32>} : memref<2x16x64xf32, #tpu.memory_space<vmem>>, vector<16xf32>,
          tpu.vector_store %arg10[%swap3A_388, %swap3A_389, %swap3A_390], %gather3A_387 {strides = array<i32>} : memref<2x16x64xf32, #tpu.memory_space<vmem>>, vector<16xf32>,
          %gather3A_392 = arith.constant 0 : i32
          %gather3A_393 = arith.constant 0 : i32
          %gather3A_394 = tpu.memref_slice %arg9[%and3A_324, %gather3A_392, %gather3A_393] : memref<8x64x128xf32, #tpu.memory_space<vmem>> -> memref<1x64x128xf32, #tpu.memory_space<vmem>>
          %gather3A_395 = tpu.memref_squeeze %gather3A_394 : memref<1x64x128xf32, #tpu.memory_space<vmem>> -> memref<64x128xf32, #tpu.memory_space<vmem>>
          %gather3A_396 = tpu.vector_load_idx %gather3A_395[%add3A_170, %broadcast_in_dim3A_361] : memref<64x128xf32, #tpu.memory_space<vmem>>[vector<16xi32>, vector<16xi32>], vector<16xf32>,
          %swap3A_397 = arith.index_cast %and3A_251 : i32 to index
          %swap3A_398 = arith.index_cast %while3A_346 : i32 to index
          %swap3A_399 = arith.constant 32 : index
          %swap3A_400 = tpu.vector_load %arg10[%swap3A_397, %swap3A_398, %swap3A_399] {strides = array<i32>} : memref<2x16x64xf32, #tpu.memory_space<vmem>>, vector<16xf32>,
          tpu.vector_store %arg10[%swap3A_397, %swap3A_398, %swap3A_399], %gather3A_396 {strides = array<i32>} : memref<2x16x64xf32, #tpu.memory_space<vmem>>, vector<16xf32>,
          %gather3A_401 = arith.constant 0 : i32
          %gather3A_402 = arith.constant 0 : i32
          %gather3A_403 = tpu.memref_slice %arg9[%and3A_324, %gather3A_401, %gather3A_402] : memref<8x64x128xf32, #tpu.memory_space<vmem>> -> memref<1x64x128xf32, #tpu.memory_space<vmem>>
          %gather3A_404 = tpu.memref_squeeze %gather3A_403 : memref<1x64x128xf32, #tpu.memory_space<vmem>> -> memref<64x128xf32, #tpu.memory_space<vmem>>
          %gather3A_405 = tpu.vector_load_idx %gather3A_404[%add3A_173, %broadcast_in_dim3A_361] : memref<64x128xf32, #tpu.memory_space<vmem>>[vector<16xi32>, vector<16xi32>], vector<16xf32>,
          %swap3A_406 = arith.index_cast %and3A_251 : i32 to index
          %swap3A_407 = arith.index_cast %while3A_346 : i32 to index
          %swap3A_408 = arith.constant 48 : index
          %swap3A_409 = tpu.vector_load %arg10[%swap3A_406, %swap3A_407, %swap3A_408] {strides = array<i32>} : memref<2x16x64xf32, #tpu.memory_space<vmem>>, vector<16xf32>,
          tpu.vector_store %arg10[%swap3A_406, %swap3A_407, %swap3A_408], %gather3A_405 {strides = array<i32>} : memref<2x16x64xf32, #tpu.memory_space<vmem>>, vector<16xf32>,
          %mul3A_410 = arith.constant 64 : i32
          %mul3A_411 = arith.muli %reduce_max3A_375, %mul3A_410 : i32
          %multiple_of3A_412 = tpu.assume_multiple %mul3A_411, 64 : i32
          %dma_start3A_413 = arith.constant 0 : i32
          %dma_start3A_414 = tpu.memref_slice %arg10[%and3A_251, %while3A_346, %dma_start3A_413] : memref<2x16x64xf32, #tpu.memory_space<vmem>> -> memref<1x1x64xf32, #tpu.memory_space<vmem>>
          %dma_start3A_415 = tpu.memref_squeeze %dma_start3A_414 : memref<1x1x64xf32, #tpu.memory_space<vmem>> -> memref<64xf32, #tpu.memory_space<vmem>>
          %dma_start3A_416 = tpu.memref_slice %arg4[%multiple_of3A_412] : memref<1048576xf32, #tpu.memory_space<hbm>> -> memref<64xf32, #tpu.memory_space<hbm>>
          %dma_start3A_417 = tpu.memref_slice %arg12[%and3A_251] : memref<2x!tpu.dma_semaphore, #tpu.memory_space<semaphore_mem>> -> memref<1x!tpu.dma_semaphore, #tpu.memory_space<semaphore_mem>>
          %dma_start3A_418 = tpu.memref_squeeze %dma_start3A_417 : memref<1x!tpu.dma_semaphore, #tpu.memory_space<semaphore_mem>> -> memref<!tpu.dma_semaphore, #tpu.memory_space<semaphore_mem>>
          %dma_start3A_419 = tpu.memref_slice %arg4[%multiple_of3A_412] : memref<1048576xf32, #tpu.memory_space<hbm>> -> memref<64xf32, #tpu.memory_space<hbm>>
          %dma_start3A_420 = arith.constant 0 : i32
          %dma_start3A_421 = tpu.memref_slice %arg10[%and3A_251, %while3A_346, %dma_start3A_420] : memref<2x16x64xf32, #tpu.memory_space<vmem>> -> memref<1x1x64xf32, #tpu.memory_space<vmem>>
          %dma_start3A_422 = tpu.memref_squeeze %dma_start3A_421 : memref<1x1x64xf32, #tpu.memory_space<vmem>> -> memref<64xf32, #tpu.memory_space<vmem>>
          tpu.enqueue_dma source(%dma_start3A_422 : memref<64xf32, #tpu.memory_space<vmem>>) target(%dma_start3A_419 : memref<64xf32, #tpu.memory_space<hbm>>) target_semaphore(%dma_start3A_418 : memref<!tpu.dma_semaphore, #tpu.memory_space<semaphore_mem>>)
        }
      } else {
      }
    }
    %and3A = arith.constant 1 : i32
    %and3A_183 = arith.andi %sub3A, %and3A : i32
    %sub3A_184 = arith.constant 2 : i32
    %sub3A_185 = arith.subi %sub3A, %sub3A_184 : i32
    %shift_right_arithmetic3A = arith.constant 4 : i32
    %shift_right_arithmetic3A_186 = arith.shrsi %sub3A_185, %shift_right_arithmetic3A : i32
    %mul3A_187 = arith.constant 16 : i32
    %mul3A_188 = arith.muli %shift_right_arithmetic3A_186, %mul3A_187 : i32
    %get3A = arith.index_cast %mul3A_188 : i32 to index
    %get3A_189 = tpu.vector_load %arg8[%get3A] {strides = array<i32>} : memref<256xi32, #tpu.memory_space<vmem>>, vector<16xi32>,
    %and3A_190 = arith.constant 15 : i32
    %and3A_191 = arith.andi %sub3A_185, %and3A_190 : i32
    %iota3A_192 = tpu.iota {dimensions = array<i32: 0>} : vector<16xi32>
    %eq3A = vector.broadcast %and3A_191 : i32 to vector<16xi32>
    %eq3A_193 = arith.cmpi eq, %iota3A_192, %eq3A : vector<16xi32>
    %jit3A = arith.constant 0 : i32
    %broadcast_in_dim3A = vector.broadcast %jit3A : i32 to vector<16xi32>
    %select_n3A = arith.select %eq3A_193, %get3A_189, %broadcast_in_dim3A : vector<16xi1>, vector<16xi32>
    %reduce_max3A = arith.constant true
    %reduce_max3A_194 = vector.broadcast %reduce_max3A : i1 to vector<16xi1>
    %reduce_max3A_195 = arith.constant -2147483648 : i32
    %reduce_max3A_196 = vector.broadcast %reduce_max3A_195 : i32 to vector<16xi32>
    %reduce_max3A_197 = arith.xori %select_n3A, %reduce_max3A_196 : vector<16xi32>
    %reduce_max3A_198 = tpu.scan <max>, %reduce_max3A_197 masked %reduce_max3A_194 : vector<16xi32>, vector<16xi1> -> vector<16xi32>
    %reduce_max3A_199 = arith.xori %reduce_max3A_198, %reduce_max3A_196 : vector<16xi32>
    %reduce_max3A_200 = vector.extract %reduce_max3A_199[15] : i32 from vector<16xi32>
    %while3A_201 = arith.constant 0 : i32
    %while3A_202 = arith.constant 0 : i32
    %while3A_203 = arith.subi %reduce_max3A_200, %while3A_202 : i32
    %while3A_204 = arith.addi %while3A_202, %while3A_203 : i32
    %while3A_205 = arith.constant 1 : i32
    %while3A_206 = arith.divsi %while3A_203, %while3A_205 : i32
    %while3A_207 = arith.muli %while3A_206, %while3A_205 : i32
    %while3A_208 = arith.addi %while3A_202, %while3A_207 : i32
    %while3A_209 = arith.constant 1 : i32
    scf.for %while3A_249 = %while3A_202 to %while3A_208 step %while3A_209  : i32 {
      %dma_wait3A = arith.constant 0 : i32
      %dma_wait3A_250 = arith.constant 0 : i32
      %dma_wait3A_251 = tpu.memref_slice %arg10[%and3A_183, %dma_wait3A, %dma_wait3A_250] : memref<2x16x64xf32, #tpu.memory_space<vmem>> -> memref<1x1x64xf32, #tpu.memory_space<vmem>>
      %dma_wait3A_252 = tpu.memref_squeeze %dma_wait3A_251 : memref<1x1x64xf32, #tpu.memory_space<vmem>> -> memref<64xf32, #tpu.memory_space<vmem>>
      %dma_wait3A_253 = arith.constant 0 : i32
      %dma_wait3A_254 = tpu.memref_slice %arg4[%dma_wait3A_253] : memref<1048576xf32, #tpu.memory_space<hbm>> -> memref<64xf32, #tpu.memory_space<hbm>>
      %dma_wait3A_255 = tpu.memref_slice %arg12[%and3A_183] : memref<2x!tpu.dma_semaphore, #tpu.memory_space<semaphore_mem>> -> memref<1x!tpu.dma_semaphore, #tpu.memory_space<semaphore_mem>>
      %dma_wait3A_256 = tpu.memref_squeeze %dma_wait3A_255 : memref<1x!tpu.dma_semaphore, #tpu.memory_space<semaphore_mem>> -> memref<!tpu.dma_semaphore, #tpu.memory_space<semaphore_mem>>
      %dma_wait3A_257 = arith.constant 0 : i32
      %dma_wait3A_258 = tpu.memref_slice %arg10[%and3A_183, %dma_wait3A, %dma_wait3A_257] : memref<2x16x64xf32, #tpu.memory_space<vmem>> -> memref<1x1x64xf32, #tpu.memory_space<vmem>>
      %dma_wait3A_259 = tpu.memref_squeeze %dma_wait3A_258 : memref<1x1x64xf32, #tpu.memory_space<vmem>> -> memref<64xf32, #tpu.memory_space<vmem>>
      %dma_wait3A_260 = arith.constant 0 : i32
      %dma_wait3A_261 = tpu.memref_slice %arg4[%dma_wait3A_260] : memref<1048576xf32, #tpu.memory_space<hbm>> -> memref<64xf32, #tpu.memory_space<hbm>>
      tpu.wait_dma2 semaphore(%dma_wait3A_256 : memref<!tpu.dma_semaphore, #tpu.memory_space<semaphore_mem>>) src(%dma_wait3A_261 : memref<64xf32, #tpu.memory_space<hbm>>) dst(%dma_wait3A_259 : memref<64xf32, #tpu.memory_space<vmem>>)
    }
    %while3A_210 = arith.constant 1 : i32
    scf.for %while3A_249 = %while3A_208 to %while3A_204 step %while3A_210  : i32 {
      %dma_wait3A = arith.constant 0 : i32
      %dma_wait3A_250 = arith.constant 0 : i32
      %dma_wait3A_251 = tpu.memref_slice %arg10[%and3A_183, %dma_wait3A, %dma_wait3A_250] : memref<2x16x64xf32, #tpu.memory_space<vmem>> -> memref<1x1x64xf32, #tpu.memory_space<vmem>>
      %dma_wait3A_252 = tpu.memref_squeeze %dma_wait3A_251 : memref<1x1x64xf32, #tpu.memory_space<vmem>> -> memref<64xf32, #tpu.memory_space<vmem>>
      %dma_wait3A_253 = arith.constant 0 : i32
      %dma_wait3A_254 = tpu.memref_slice %arg4[%dma_wait3A_253] : memref<1048576xf32, #tpu.memory_space<hbm>> -> memref<64xf32, #tpu.memory_space<hbm>>
      %dma_wait3A_255 = tpu.memref_slice %arg12[%and3A_183] : memref<2x!tpu.dma_semaphore, #tpu.memory_space<semaphore_mem>> -> memref<1x!tpu.dma_semaphore, #tpu.memory_space<semaphore_mem>>
      %dma_wait3A_256 = tpu.memref_squeeze %dma_wait3A_255 : memref<1x!tpu.dma_semaphore, #tpu.memory_space<semaphore_mem>> -> memref<!tpu.dma_semaphore, #tpu.memory_space<semaphore_mem>>
      %dma_wait3A_257 = arith.constant 0 : i32
      %dma_wait3A_258 = tpu.memref_slice %arg10[%and3A_183, %dma_wait3A, %dma_wait3A_257] : memref<2x16x64xf32, #tpu.memory_space<vmem>> -> memref<1x1x64xf32, #tpu.memory_space<vmem>>
      %dma_wait3A_259 = tpu.memref_squeeze %dma_wait3A_258 : memref<1x1x64xf32, #tpu.memory_space<vmem>> -> memref<64xf32, #tpu.memory_space<vmem>>
      %dma_wait3A_260 = arith.constant 0 : i32
      %dma_wait3A_261 = tpu.memref_slice %arg4[%dma_wait3A_260] : memref<1048576xf32, #tpu.memory_space<hbm>> -> memref<64xf32, #tpu.memory_space<hbm>>
      tpu.wait_dma2 semaphore(%dma_wait3A_256 : memref<!tpu.dma_semaphore, #tpu.memory_space<semaphore_mem>>) src(%dma_wait3A_261 : memref<64xf32, #tpu.memory_space<hbm>>) dst(%dma_wait3A_259 : memref<64xf32, #tpu.memory_space<vmem>>)
    }
    %sub3A_211 = arith.constant 1 : i32
    %sub3A_212 = arith.subi %sub3A, %sub3A_211 : i32
    %and3A_213 = arith.constant 1 : i32
    %and3A_214 = arith.andi %sub3A_212, %and3A_213 : i32
    %sub3A_215 = arith.constant 1 : i32
    %sub3A_216 = arith.subi %sub3A, %sub3A_215 : i32
    %shift_right_arithmetic3A_217 = arith.constant 4 : i32
    %shift_right_arithmetic3A_218 = arith.shrsi %sub3A_216, %shift_right_arithmetic3A_217 : i32
    %mul3A_219 = arith.constant 16 : i32
    %mul3A_220 = arith.muli %shift_right_arithmetic3A_218, %mul3A_219 : i32
    %get3A_221 = arith.index_cast %mul3A_220 : i32 to index
    %get3A_222 = tpu.vector_load %arg8[%get3A_221] {strides = array<i32>} : memref<256xi32, #tpu.memory_space<vmem>>, vector<16xi32>,
    %and3A_223 = arith.constant 15 : i32
    %and3A_224 = arith.andi %sub3A_216, %and3A_223 : i32
    %iota3A_225 = tpu.iota {dimensions = array<i32: 0>} : vector<16xi32>
    %eq3A_226 = vector.broadcast %and3A_224 : i32 to vector<16xi32>
    %eq3A_227 = arith.cmpi eq, %iota3A_225, %eq3A_226 : vector<16xi32>
    %jit3A_228 = arith.constant 0 : i32
    %broadcast_in_dim3A_229 = vector.broadcast %jit3A_228 : i32 to vector<16xi32>
    %select_n3A_230 = arith.select %eq3A_227, %get3A_222, %broadcast_in_dim3A_229 : vector<16xi1>, vector<16xi32>
    %reduce_max3A_231 = arith.constant true
    %reduce_max3A_232 = vector.broadcast %reduce_max3A_231 : i1 to vector<16xi1>
    %reduce_max3A_233 = arith.constant -2147483648 : i32
    %reduce_max3A_234 = vector.broadcast %reduce_max3A_233 : i32 to vector<16xi32>
    %reduce_max3A_235 = arith.xori %select_n3A_230, %reduce_max3A_234 : vector<16xi32>
    %reduce_max3A_236 = tpu.scan <max>, %reduce_max3A_235 masked %reduce_max3A_232 : vector<16xi32>, vector<16xi1> -> vector<16xi32>
    %reduce_max3A_237 = arith.xori %reduce_max3A_236, %reduce_max3A_234 : vector<16xi32>
    %reduce_max3A_238 = vector.extract %reduce_max3A_237[15] : i32 from vector<16xi32>
    %while3A_239 = arith.constant 0 : i32
    %while3A_240 = arith.constant 0 : i32
    %while3A_241 = arith.subi %reduce_max3A_238, %while3A_240 : i32
    %while3A_242 = arith.addi %while3A_240, %while3A_241 : i32
    %while3A_243 = arith.constant 1 : i32
    %while3A_244 = arith.divsi %while3A_241, %while3A_243 : i32
    %while3A_245 = arith.muli %while3A_244, %while3A_243 : i32
    %while3A_246 = arith.addi %while3A_240, %while3A_245 : i32
    %while3A_247 = arith.constant 1 : i32
    scf.for %while3A_249 = %while3A_240 to %while3A_246 step %while3A_247  : i32 {
      %dma_wait3A = arith.constant 0 : i32
      %dma_wait3A_250 = arith.constant 0 : i32
      %dma_wait3A_251 = tpu.memref_slice %arg10[%and3A_214, %dma_wait3A, %dma_wait3A_250] : memref<2x16x64xf32, #tpu.memory_space<vmem>> -> memref<1x1x64xf32, #tpu.memory_space<vmem>>
      %dma_wait3A_252 = tpu.memref_squeeze %dma_wait3A_251 : memref<1x1x64xf32, #tpu.memory_space<vmem>> -> memref<64xf32, #tpu.memory_space<vmem>>
      %dma_wait3A_253 = arith.constant 0 : i32
      %dma_wait3A_254 = tpu.memref_slice %arg4[%dma_wait3A_253] : memref<1048576xf32, #tpu.memory_space<hbm>> -> memref<64xf32, #tpu.memory_space<hbm>>
      %dma_wait3A_255 = tpu.memref_slice %arg12[%and3A_214] : memref<2x!tpu.dma_semaphore, #tpu.memory_space<semaphore_mem>> -> memref<1x!tpu.dma_semaphore, #tpu.memory_space<semaphore_mem>>
      %dma_wait3A_256 = tpu.memref_squeeze %dma_wait3A_255 : memref<1x!tpu.dma_semaphore, #tpu.memory_space<semaphore_mem>> -> memref<!tpu.dma_semaphore, #tpu.memory_space<semaphore_mem>>
      %dma_wait3A_257 = arith.constant 0 : i32
      %dma_wait3A_258 = tpu.memref_slice %arg10[%and3A_214, %dma_wait3A, %dma_wait3A_257] : memref<2x16x64xf32, #tpu.memory_space<vmem>> -> memref<1x1x64xf32, #tpu.memory_space<vmem>>
      %dma_wait3A_259 = tpu.memref_squeeze %dma_wait3A_258 : memref<1x1x64xf32, #tpu.memory_space<vmem>> -> memref<64xf32, #tpu.memory_space<vmem>>
      %dma_wait3A_260 = arith.constant 0 : i32
      %dma_wait3A_261 = tpu.memref_slice %arg4[%dma_wait3A_260] : memref<1048576xf32, #tpu.memory_space<hbm>> -> memref<64xf32, #tpu.memory_space<hbm>>
      tpu.wait_dma2 semaphore(%dma_wait3A_256 : memref<!tpu.dma_semaphore, #tpu.memory_space<semaphore_mem>>) src(%dma_wait3A_261 : memref<64xf32, #tpu.memory_space<hbm>>) dst(%dma_wait3A_259 : memref<64xf32, #tpu.memory_space<vmem>>)
    }
    %while3A_248 = arith.constant 1 : i32
    scf.for %while3A_249 = %while3A_246 to %while3A_242 step %while3A_248  : i32 {
      %dma_wait3A = arith.constant 0 : i32
      %dma_wait3A_250 = arith.constant 0 : i32
      %dma_wait3A_251 = tpu.memref_slice %arg10[%and3A_214, %dma_wait3A, %dma_wait3A_250] : memref<2x16x64xf32, #tpu.memory_space<vmem>> -> memref<1x1x64xf32, #tpu.memory_space<vmem>>
      %dma_wait3A_252 = tpu.memref_squeeze %dma_wait3A_251 : memref<1x1x64xf32, #tpu.memory_space<vmem>> -> memref<64xf32, #tpu.memory_space<vmem>>
      %dma_wait3A_253 = arith.constant 0 : i32
      %dma_wait3A_254 = tpu.memref_slice %arg4[%dma_wait3A_253] : memref<1048576xf32, #tpu.memory_space<hbm>> -> memref<64xf32, #tpu.memory_space<hbm>>
      %dma_wait3A_255 = tpu.memref_slice %arg12[%and3A_214] : memref<2x!tpu.dma_semaphore, #tpu.memory_space<semaphore_mem>> -> memref<1x!tpu.dma_semaphore, #tpu.memory_space<semaphore_mem>>
      %dma_wait3A_256 = tpu.memref_squeeze %dma_wait3A_255 : memref<1x!tpu.dma_semaphore, #tpu.memory_space<semaphore_mem>> -> memref<!tpu.dma_semaphore, #tpu.memory_space<semaphore_mem>>
      %dma_wait3A_257 = arith.constant 0 : i32
      %dma_wait3A_258 = tpu.memref_slice %arg10[%and3A_214, %dma_wait3A, %dma_wait3A_257] : memref<2x16x64xf32, #tpu.memory_space<vmem>> -> memref<1x1x64xf32, #tpu.memory_space<vmem>>
      %dma_wait3A_259 = tpu.memref_squeeze %dma_wait3A_258 : memref<1x1x64xf32, #tpu.memory_space<vmem>> -> memref<64xf32, #tpu.memory_space<vmem>>
      %dma_wait3A_260 = arith.constant 0 : i32
      %dma_wait3A_261 = tpu.memref_slice %arg4[%dma_wait3A_260] : memref<1048576xf32, #tpu.memory_space<hbm>> -> memref<64xf32, #tpu.memory_space<hbm>>
      tpu.wait_dma2 semaphore(%dma_wait3A_256 : memref<!tpu.dma_semaphore, #tpu.memory_space<semaphore_mem>>) src(%dma_wait3A_261 : memref<64xf32, #tpu.memory_space<hbm>>) dst(%dma_wait3A_259 : memref<64xf32, #tpu.memory_space<vmem>>)
    }
    return
  }
}

</mosaic_0001>

<sc_bundles>
// kernel: kernel.3.cloned.1.call-start
scs
__scs_entry_jumppad:
0x0: {  	(pc) =	sbr.rel $0x88, $3  }
0x1: {  	(tag) =	ssettag $0x0;
	lr =	simm.s32 $0x1  }
0x2: {  	[smem:$0x3F9F] =	sst lr;
	_ =	strace $0xD0000000  }
0x3: {  	_ = 	snop  }
0x4: {  	_ = 	snop  }
0x5: {  	_ = 	snop  }
0x6: {  	_ = 	snop  }
0x7: {  	_ = 	snop  }
__scs_overlays_trampoline_lowered:
0x8: {  	[smem:$0x3FAE] =	sst s0  }
0x9: {  	[smem:$0x3FAF] =	sst s1  }
0xa: {  	[smem:$0x3FB0] =	sst s2  }
0xb: {  	[smem:$0x3FB1] =	sst s3  }
0xc: {  	[smem:$0x3FB2] =	sst s4  }
0xd: {  	[smem:$0x3FB3] =	sst s5  }
0xe: {  	[smem:$0x3FB4] =	sst s6  }
0xf: {  	[smem:$0x3FB5] =	sst s7  }
0x10: {  	[smem:$0x3FB6] =	sst s8  }
0x11: {  	[smem:$0x3FB7] =	sst s9;
	s0 =	simm.s32 @!p0 $0x0  }
0x12: {  	s1 =	sld [smem:$0x3F9D];
	s0 =	simm.s32 @p0 $0x1  }
0x13: {  	[smem:$0x3FB8] =	sst s0;
	s0 =	simm.s32 @!p1 $0x0  }
0x14: {  	s2 =	sld [smem:$0x3F9C];
	s0 =	simm.s32 @p1 $0x1  }
0x15: {  	[smem:$0x3FB9] =	sst s0;
	s0 =	simm.s32 @!p2 $0x0  }
0x16: {  	s3 =	sld [smem:$0x3FDB];
	s0 =	simm.s32 @p2 $0x1  }
0x17: {  	s4 =	simm.s32 $0x1BF5;
	[smem:$0x3FBB] =	sst s0  }
0x18: {  	s0 =	sld [smem:$0x3F9E];
	_ =	swait.ge [sflag:s4], $0x0  }
0x19: {  	s7 =	sld [smem:$0x3F9F]  }
0x1a: {  	s8 =	sadd.s32 $0xFFFFE003, lr  }
0x1b: {  	s9 =	sadd.s32 $0xFFFFFEF7, lr;
	s5 =	simm.s32 $0xFFFFFFFF;
	p2 =	slt.u32 s8, $0xFFFFF086  }
0x1c: {  	p1 =	slt.u32 s9, $0xF7A;
	s5 =	simm.s32 @!p2 $0x0  }
0x1d: {  	s5 =	simm.s32 @p1 $0x1;
	p0 =	seq.s32 s7, s2  }
0x1e: {  	s7 =	smul.u32 @!p0 $0xF7A, s2;
	p2 =	seq.s32 @!p0 s5, $0x0  }
0x1f: {  	s9 =	smul.u32 $0xF7A, s1;
	s8 =	simm.s32 @!p0 $0x1BF5;
	p2 =	por !p2, p0  }
0x20: {  	[sflag:s8] =	ssyncset.s32 @!p0 $0xFFFFF086;
	s6 =	sadd.s32 @!p0 s3, s7;
	s7 =	simm.s32 @!p0 $0x108  }
0x21: {  	s3 =	sadd.s32 s3, s9;
	s6 =	sadd.s32 @!p0 $0x88, s6;
	s7 =	simm.s32 @p2 $0x1082  }
0x22: {  	[simem:s7], [sflag:s8] =	dma.local @!p0 [hbm:s6], $0xF7A  }
0x23: {  	s9 =	sor.u32 $0xD0000000, s2;
	s6 =	simm.s32 $0x108;
	_ =	swait.ge @!p0 [sflag:s8], $0x0  }
0x24: {  	s3 =	sadd.s32 $0x88, s3;
	s6 =	simm.s32 @!p1 $0x1082;
	[sflag:s4] =	ssyncset.s32 $0xFFFFF086  }
0x25: {  	[simem:s6], [sflag:s4] =	dma.local [hbm:s3], $0xF7A  }
0x26: {  	[smem:$0x3F9F] =	sst s1;
	(tag) =	ssettag s2;
	_ =	strace s9  }
0x27: {  	s1 =	sld [smem:$0x3FAF]  }
0x28: {  	s2 =	sld [smem:$0x3FB0]  }
0x29: {  	s4 =	sld [smem:$0x3FB2]  }
0x2a: {  	p0 =	seq.s32 s5, $0x0;
	s5 =	sld [smem:$0x3FB3]  }
0x2b: {  	s6 =	sld [smem:$0x3FB4]  }
0x2c: {  	s7 =	sld [smem:$0x3FB5]  }
0x2d: {  	s3 =	simm.s32 $0x108;
	s8 =	sld [smem:$0x3FB6]  }
0x2e: {  	s3 =	simm.s32 @!p0 $0x1082;
	s9 =	sld [smem:$0x3FB7]  }
0x2f: {  	lr =	sadd.s32 s0, s3;
	s0 =	sld [smem:$0x3FAE]  }
0x30: {  	s3 =	sld [smem:$0x3FB1]  }
0x31: {  	[smem:$0x3FBA] =	sst s10  }
0x32: {  	s10 =	sld [smem:$0x3FB8];
	_ =	sdelay $0x3  }
0x33: {  	p0 =	seq.s32 s10, $0x1;
	s10 =	sld [smem:$0x3FBA];
	_ =	sdelay $0x3  }
0x34: {  	[smem:$0x3FBA] =	sst s10  }
0x35: {  	s10 =	sld [smem:$0x3FB9];
	_ =	sdelay $0x3  }
0x36: {  	p1 =	seq.s32 s10, $0x1;
	s10 =	sld [smem:$0x3FBA];
	_ =	sdelay $0x3  }
0x37: {  	[smem:$0x3FBA] =	sst s10  }
0x38: {  	s10 =	sld [smem:$0x3FBB]  }
0x39: {  	_ = 	snop;
	(pc) =	sbr.ind lr, $3  }
0x3a: {  	_ = 	snop  }
0x3b: {  	_ = 	snop  }
0x3c: {  	p2 =	seq.s32 s10, $0x1;
	s10 =	sld [smem:$0x3FBA]  }
0x3d: {  	_ =	shalt  }
0x3e: {  	_ =	shalt  }
0x3f: {  	_ =	shalt  }
0x40: {  	_ =	shalt  }
0x41: {  	_ =	shalt  }
0x42: {  	_ =	shalt  }
0x43: {  	_ =	shalt  }
0x44: {  	_ =	shalt  }
0x45: {  	_ =	shalt  }
0x46: {  	_ =	shalt  }
0x47: {  	_ =	shalt  }
0x48: {  	_ =	shalt  }
0x49: {  	_ =	shalt  }
0x4a: {  	_ =	shalt  }
0x4b: {  	_ =	shalt  }
0x4c: {  	_ =	shalt  }
0x4d: {  	_ =	shalt  }
0x4e: {  	_ =	shalt  }
0x4f: {  	_ =	shalt  }
0x50: {  	_ =	shalt  }
0x51: {  	_ =	shalt  }
0x52: {  	_ =	shalt  }
0x53: {  	_ =	shalt  }
0x54: {  	_ =	shalt  }
0x55: {  	_ =	shalt  }
0x56: {  	_ =	shalt  }
0x57: {  	_ =	shalt  }
0x58: {  	_ =	shalt  }
0x59: {  	_ =	shalt  }
0x5a: {  	_ =	shalt  }
0x5b: {  	_ =	shalt  }
0x5c: {  	_ =	shalt  }
0x5d: {  	_ =	shalt  }
0x5e: {  	_ =	shalt  }
0x5f: {  	_ =	shalt  }
0x60: {  	_ =	shalt  }
0x61: {  	_ =	shalt  }
0x62: {  	_ =	shalt  }
0x63: {  	_ =	shalt  }
0x64: {  	_ =	shalt  }
0x65: {  	_ =	shalt  }
0x66: {  	_ =	shalt  }
0x67: {  	_ =	shalt  }
0x68: {  	_ =	shalt  }
0x69: {  	_ =	shalt  }
0x6a: {  	_ =	shalt  }
0x6b: {  	_ =	shalt  }
0x6c: {  	_ =	shalt  }
0x6d: {  	_ =	shalt  }
0x6e: {  	_ =	shalt  }
0x6f: {  	_ =	shalt  }
0x70: {  	_ =	shalt  }
0x71: {  	_ =	shalt  }
0x72: {  	_ =	shalt  }
0x73: {  	_ =	shalt  }
0x74: {  	_ =	shalt  }
0x75: {  	_ =	shalt  }
0x76: {  	_ =	shalt  }
0x77: {  	_ =	shalt  }
0x78: {  	_ =	shalt  }
0x79: {  	_ =	shalt  }
0x7a: {  	_ =	shalt  }
0x7b: {  	_ =	shalt  }
0x7c: {  	_ =	shalt  }
0x7d: {  	_ =	shalt  }
0x7e: {  	_ =	shalt  }
0x7f: {  	_ =	shalt  }
0x80: {  	_ =	shalt  }
0x81: {  	_ =	shalt  }
0x82: {  	_ =	shalt  }
0x83: {  	_ =	shalt  }
0x84: {  	_ =	shalt  }
0x85: {  	_ =	shalt  }
0x86: {  	_ =	shalt  }
0x87: {  	_ =	shalt  }
.Lfunc_end0:
.L_simem_size_0:
called_computation_lowered:
.L_overlay_start_0:
0x88: {  	s2 =	sld [smem:$0x3FD9]  }
0x89: {  	s3 =	sld [smem:$0x3FFE];
	_ =	sdelay $0x1  }
0x8a: {  	s1 =	srdreg.scid  }
0x8b: {  	s0 =	sand.u32 $0x1, s1  }
0x8c: {  	s18 =	sshll.u32 s0, $0xA;
	s2 =	sadd.s32 s3, s2  }
0x8d: {  	s2 =	sadd.s32 s2, s18  }
0x8e: {  	[smem:$0x3FC6] =	sst s2  }
0x8f: {  	_ = 	snop  }
0x90: {  	s2 =	sld [smem:$0x3FC9]  }
0x91: {  	s19 =	sld [smem:$0x3FC8]  }
0x92: {  	s4 =	sld [smem:$0x3FD0];
	(tm) =	ssettm $0x1  }
0x93: {  	s5 =	sld [smem:$0x3FFB];
	_ =	sdelay $0x3  }
0x94: {  	_ =	strace s5  }
0x95: {  	s5 =	sld [smem:$0x3FFC];
	_ =	sdelay $0x3  }
0x96: {  	_ =	strace s5  }
0x97: {  	s5 =	sld [smem:$0x3FFD];
	_ =	sdelay $0x3  }
0x98: {  	_ =	strace s5  }
0x99: {  	_ =	strace $0x8FFFFFFF  }
0x9a: {  	s20 =	sld [smem:$0x3FDB];
	_ =	sdelay $0x1  }
0x9b: {  	s6 =	simm.s32 $_scs_section_size  }
0x9c: {  	s7 =	simm.s32 $_size__tile_overlayer_lowered;
	s8 =	simm.s32 $_tile_overlayer_lowered  }
0x9d: {  	s23 =	simm.s32 $0x1BFF;
	s22 =	sshll.u32 s8, $0x1;
	s5 =	sadd.s32 s6, s20  }
0x9e: {  	s9 =	simm.s32 $0x0;
	s21 =	sshll.u32 s7, $0x1;
	s7 =	sadd.s32 s22, s5  }
0x9f: {  	[timem:s9], [sflag:s23] =	dma.local [hbm:s7], s21  }
0xa0: {  	_ =	swait.ge [sflag:s23], s21  }
0xa1: {  	s6 =	ssub.s32 $0x0, s21;
	[sflag:s23] =	ssyncset.done $0x0  }
0xa2: {  	[sflag:s23] =	ssyncadd.s32 s6;
	_ =	sdelay $0x1  }
0xa3: {  	s24 =	simm.s32 $0x1B8B  }
0xa4: {  	_ =	swait.ge [sflag:s24], $0x1  }
0xa5: {  	[sflag:s24] =	ssyncset.done $0x0  }
0xa6: {  	s25 =	simm.s32 $0x1B8E;
	[sflag:s24] =	ssyncadd.s32 $0xFFFFFFFF  }
0xa7: {  	s26 =	simm.s32 $execute0_lowered;
	[smem:$0x3FD2] =	sst s25  }
0xa8: {  	s6 =	sshll.u32 s26, $0x1;
	_ =	strace $0x80000046;
	[dreg:$0x1] =	wrdreg $0xFFFFFFFF  }
0xa9: {  	s28 =	simm.s32 $_size_execute0_lowered;
	s5 =	sadd.s32 s5, s6;
	[dreg:$0x0] =	wrdreg $0x0  }
0xaa: {  	s6 =	sshll.u32 s28, $0x1;
	[dreg:$0x2] =	wrdreg s5  }
0xab: {  	[dreg:$0x3] =	wrdreg s6  }
0xac: {  	[dreg:$0x4] =	wrdreg $0xC0  }
0xad: {  	_ =	task [dreg:s9], $0x5FFFF  }
0xae: {  	[dreg:$0x1] =	wrdreg $0xFFFFFFFF  }
0xaf: {  	[dreg:$0x0] =	wrdreg $0x60  }
0xb0: {  	[dreg:$0x2] =	wrdreg s2  }
0xb1: {  	[dreg:$0x3] =	wrdreg s19  }
0xb2: {  	[dreg:$0x4] =	wrdreg s4  }
0xb3: {  	[dreg:$0x5] =	wrdreg $0x9  }
0xb4: {  	_ =	task.clear_ibuf [dreg:s9], $0x6FFFF;
	_ =	strace $0x90000046  }
0xb5: {  	s29 =	simm.s32 $0x9;
	_ =	strace $0x80000048  }
0xb6: {  	_ =	swait.ge [sflag:s29], $0x1  }
0xb7: {  	[sflag:s29] =	ssyncadd.s32 $0xFFFFFFFF  }
0xb8: {  	_ =	strace $0x90000048  }
0xb9: {  	_ =	sfence  }
0xba: {  	s30 =	sld [smem:$0x0];
	_ =	sdelay $0x2  }
0xbb: {  	s31 =	sshll.u32 s1, $0xD;
	s1 =	sshrl.u32 s1, $0x2  }
0xbc: {  	s3 =	sand.u32 $0x4000, s31;
	s1 =	sadd.s32 s1, s30  }
0xbd: {  	s0 =	sor.u32 s3, s0;
	s1 =	sshll.u32 s1, $0x11  }
0xbe: {  	s0 =	sor.u32 s1, s0  }
0xbf: {  	s0 =	sadd.s32 $0x8F2B, s0  }
0xc0: {  	[sflag:s0] =	ssyncadd.remote.s32 $0x1  }
0xc1: {  	_ =	sfence.sel $0xFFFF  }
0xc2: {  	[dreg:$0x0] =	wrdreg $0xFFFFFFFF;
	(pc) =	sbr.abs _section_cstart, $3  }
0xc3: {  	[dreg:$0x1] =	wrdreg $0xFFFFFFFF  }
0xc4: {  	_ =	task.clear_ibuf [dreg:s9], $0x2FFFF;
	_ =	strace $0x9FFFFFFF  }
0xc5: {  	(tm) =	ssettm $0x7FFFFFFF  }
tec
execute0_lowered:
.L_overlay_start_1:
0x0: {  	(tag) =	ssettag $0x1  }
0x1: {  	s0 =	srdreg.scid;
	s1 =	stileid.u32  }
0x2: {  	s3 =	rddreg [dreg:$0x1];
	s0 =	sand.u32 $0x1, s0;
	s1 =	sshll.u32 s1, $0x1  }
0x3: {  	s4 =	rddreg [dreg:$0x2];
	s5 =	simm.s32 $0x0;
	s1 =	sor.u32 s0, s1  }
0x4: {  	s20 =	simm.s32 $0x400;
	s21 =	simm.s32 $0x7A1400;
	s6 =	smul.u32 $0xF5, s1  }
0x5: {  	s30 =	simm.s32 $0xB;
	s0 =	ssub.s32 $0x2, s0;
	s2 =	smul.u32 $0x3D400, s1  }
0x6: {  	[smem:$0x7FF] =	sst s5;
	s7 =	sshrl.u32 s0, $0x1;
	s1 =	smul.u32 $0x7A80, s1  }
0x7: {  	s31 =	simm.s32 $0x6000;
	_ =	strace $0x80000047;
	s0 =	ssub.s32 s0, s7  }
0x8: {  	s8 =	smin.u32 s6, $0x1D90;
	s2 =	sshrl.u32 s2, $0x3;
	s1 =	sadd.s32 s3, s1  }
0x9: {  	s19 =	smax.u32 s0, $0x1;
	s0 =	simm.s32 $0x5000;
	s8 =	sadd.s32 $0xF5, s8  }
0xa: {  	s2 =	sadd.s32 s3, s2;
	[dreg:$0x4] =	wrdreg s1;
	s1 =	simm.s32 $0x0  }
0xb: {  	s7 =	ssub.s32 s8, s6;
	s25 =	sadd.s32 $0x80, s2;
	s10 =	sadd.s32 $0x100, s2  }
0xc: {  	v0 =	vlaneseq.u32;
	s11 =	sadd.s32 $0x180, s2;
	s12 =	sadd.s32 $0x200, s2;
	s13 =	sadd.s32 $0x280, s2  }
.Ltmp0:
0xd: {  	v2 =	vmul.u32 $0x80, v0;
	s14 =	sadd.s32 $0x300, s2;
	s28 =	sadd.s32 $0xFFFFFFFE, s7;
	(pc) =	sbr.rel .LBB2_1-.Ltmp0, $4  }
0xe: {  	v4 =	vimm.s32 $0x0;
	[dreg:$0x5] =	wrdreg s25;
	s9 =	sadd.s32 $0xFFFFFFFF, s7;
	s2 =	sand.u32 $0xF, s28  }
0xf: {  	v5 =	vor.u32 $0x800, v2;
	v6 =	vor.u32 $0x1000, v2;
	v7 =	vor.u32 $0x1800, v2;
	s29 =	sand.u32 $0x1, s9;
	s17 =	sand.u32 $0xFFFFFFF0, s9;
	s9 =	sand.u32 $0xF, s9  }
0x10: {  	v3 =	vmov s6;
	s26 =	sand.u32 $0x1, s7;
	p0 =	sgt.s32 s7, $0x0;
	s15 =	sand.u32 $0xFFFFFFF0, s28;
	v8 =	vmov s2;
	v9 =	vmov s9  }
0x11: {  	v1 =	vmov s8;
	s16 =	sadd.s32 $0x9, s26;
	s18 =	sadd.s32 $0x9, s29;
	s2 =	simm.s32 $0x4000;
	vm0 =	veq.s32 v8, v0;
	vm1 =	veq.s32 v9, v0  }
.LBB2_24:
0x12: {  	[sflag:s18] =	ssyncadd.s32 $0xFFFFFFC0  }
.LBB2_25:
0x13: {  	s1 =	sadd.s32 $0x1, s1  }
0x14: {  	p1 =	sne.s32 s1, s19  }
.Ltmp1:
0x15: {  	_ = 	snop;
	(pc) =	sbr.rel @!p1 .LBB2_26-.Ltmp1, $1  }
0x16: {  	_ =	sdelay $0x3  }
.LBB2_1:
0x17: {  	s8 =	rddreg [dreg:$0x4];
	s9 =	simm.s32 $0x6100  }
0x18: {  	[tilespmem:s9], [sflag:$0x1] =	stream.strided.gather [hbm4b:s8+s20], $0x2000, s21, s20, $0x38;
	[tilespmem:$0x17100] =	vst v63  }
0x19: {  	s22 =	simm.s32 $0x8100;
	s9 =	rddreg [dreg:$0x5]  }
0x1a: {  	[tilespmem:s22], [sflag:$0x2] =	stream.strided.gather [hbm4b:s9+s20], $0x2000, s21, s20, $0x38;
	[tilespmem:$0x17100] =	vst v63  }
0x1b: {  	s23 =	simm.s32 $0xA100  }
0x1c: {  	[tilespmem:s23], [sflag:$0x3] =	stream.strided.gather [hbm4b:s10+s20], $0x2000, s21, s20, $0x38;
	[tilespmem:$0x17100] =	vst v63  }
0x1d: {  	s24 =	simm.s32 $0xC100  }
0x1e: {  	[tilespmem:s24], [sflag:$0x4] =	stream.strided.gather [hbm4b:s11+s20], $0x2000, s21, s20, $0x38;
	[tilespmem:$0x17100] =	vst v63  }
0x1f: {  	s25 =	simm.s32 $0xE100  }
0x20: {  	[tilespmem:s25], [sflag:$0x5] =	stream.strided.gather [hbm4b:s12+s20], $0x2000, s21, s20, $0x38;
	[tilespmem:$0x17100] =	vst v63  }
0x21: {  	s26 =	simm.s32 $0x10100  }
0x22: {  	[tilespmem:s26], [sflag:$0x6] =	stream.strided.gather [hbm4b:s13+s20], $0x2000, s21, s20, $0x38;
	[tilespmem:$0x17100] =	vst v63  }
0x23: {  	s28 =	simm.s32 $0x12100  }
0x24: {  	[tilespmem:s28], [sflag:$0x7] =	stream.strided.gather [hbm4b:s14+s20], $0x2000, s21, s20, $0x38;
	[tilespmem:$0x17100] =	vst v63  }
0x25: {  	s29 =	rddreg [dreg:$0x0]  }
0x26: {  	[tilespmem:s5], [sflag:$0xB] =	stream.linear.gather [hbm4b:s29+s5], $0x4000, $0x38;
	[tilespmem:$0x17100] =	vst v63  }
0x27: {  	_ =	swait.ge [sflag:s30], $0x4000  }
0x28: {  	[sflag:s30] =	ssyncset.done $0x0  }
0x29: {  	[sflag:s30] =	ssyncadd.s32 $0xFFFFC000  }
0x2a: {  	[tilespmem:$0x6000] =	vst v4  }
0x2b: {  	[tilespmem:$0x6010] =	vst v4  }
0x2c: {  	[tilespmem:$0x6020] =	vst v4  }
0x2d: {  	[tilespmem:$0x6030] =	vst v4  }
0x2e: {  	[tilespmem:$0x6040] =	vst v4  }
0x2f: {  	[tilespmem:$0x6050] =	vst v4  }
0x30: {  	[tilespmem:$0x6060] =	vst v4  }
0x31: {  	[tilespmem:$0x6070] =	vst v4  }
0x32: {  	[tilespmem:$0x6080] =	vst v4  }
0x33: {  	[tilespmem:$0x6090] =	vst v4  }
0x34: {  	[tilespmem:$0x60A0] =	vst v4  }
0x35: {  	[tilespmem:$0x60B0] =	vst v4  }
0x36: {  	[tilespmem:$0x60C0] =	vst v4  }
0x37: {  	[tilespmem:$0x60D0] =	vst v4  }
0x38: {  	[tilespmem:$0x60E0] =	vst v4  }
0x39: {  	[tilespmem:$0x60F0] =	vst v4  }
0x3a: {  	v8 =	vld [tilespmem:s5+$0x0];
	_ =	sdelay $0x1  }
0x3b: {  	s8 =	simm.s32 $0x10;
	s22 =	simm.s32 $0x0;
	s23 =	simm.s32 $0x0  }
.LBB2_2:
0x3c: {  	p1 =	seq.s32 s8, $0x3FF0;
	_ =	sdelay $0x1  }
0x3d: {  	v9 =	vshrl.u32 v8, $0x7  }
0x3e: {  	vm2 =	vge.u32 v9, v3;
	vm3 =	vlt.u32 v9, v1;
	v9 =	vsub.s32 v9, v3  }
0x3f: {  	vm2 =	vmand vm2, vm3;
	v9 =	vand.u32 $0xFF, v9  }
0x40: {  	(xrf1) =	vunique.msk.u32 vm2, v9;
	_ =	sdelay $0x7  }
0x41: {  	v10 =	vld.idx.msk [tilespmem:v9+s31+$0x0], vm2;
	_ =	sdelay $0x5  }
0x42: {  	v10 =	vadd.s32 $0xFFFFFFFF, v10;
	_, v11, vm3 =	vpop (xrf1)  }
0x43: {  	v10 =	vadd.s32 v11, v10  }
0x44: {  	v12 =	vshll.u32 v9, $0x4;
	v10 =	vand.u32 $0xF, v10  }
0x45: {  	v10 =	vor.u32 v12, v10  }
0x46: {  	vm3 =	vmand vm2, vm3;
	_ =	sdelay $0x3  }
0x47: {  	[tilespmem:v10+s2+$0x0] =	vst.idx.msk vm2, v8;
	v8 =	vor.u32 s22, v0;
	s22 =	smov.u32 s8  }
.Ltmp2:
0x48: {  	[tilespmem:v10+s0+$0x0] =	vst.idx.msk vm2, v8;
	(pc) =	sbr.rel @!p1 .LBB2_2-.Ltmp2, $3  }
0x49: {  	s23 =	sadd.s32 $0x10, s23;
	[tilespmem:v9+s31+$0x0] =	vst.idx.add.s32.msk vm3, v11  }
0x4a: {  	v8 =	vld [tilespmem:s23+$0x0];
	_ =	sdelay $0x1  }
0x4b: {  	s8 =	sadd.s32 $0x10, s8  }
0x4c: {  	_ =	sdelay $0x1  }
0x4d: {  	v9 =	vshrl.u32 v8, $0x7  }
0x4e: {  	vm2 =	vge.u32 v9, v3;
	vm3 =	vlt.u32 v9, v1;
	v9 =	vsub.s32 v9, v3  }
0x4f: {  	vm2 =	vmand vm2, vm3;
	v9 =	vand.u32 $0xFF, v9  }
0x50: {  	(xrf1) =	vunique.msk.u32 vm2, v9;
	_ =	sdelay $0x8  }
0x51: {  	v10 =	vld.idx.msk [tilespmem:v9+s31+$0x0], vm2;
	_ =	sdelay $0x4  }
0x52: {  	v10 =	vadd.s32 $0xFFFFFFFF, v10;
	_, v11, vm3 =	vpop (xrf1)  }
0x53: {  	v10 =	vadd.s32 v11, v10  }
0x54: {  	v12 =	vshll.u32 v9, $0x4;
	v10 =	vand.u32 $0xF, v10  }
0x55: {  	v10 =	vor.u32 v12, v10  }
0x56: {  	vm3 =	vmand vm2, vm3;
	_ =	sdelay $0x1  }
.Ltmp3:
0x57: {  	_ = 	snop;
	(pc) =	sbr.rel @!p0 .LBB2_17-.Ltmp3, $4  }
0x58: {  	_ = 	snop  }
0x59: {  	[tilespmem:v10+s2+$0x0] =	vst.idx.msk vm2, v8;
	v8 =	vor.u32 s22, v0  }
0x5a: {  	[tilespmem:v10+s0+$0x0] =	vst.idx.msk vm2, v8  }
0x5b: {  	[tilespmem:v9+s31+$0x0] =	vst.idx.add.s32.msk vm3, v11  }
.Ltmp4:
0x5c: {  	(pc) =	sbr.rel .LBB2_5-.Ltmp4, $2  }
0x5d: {  	_ =	sdelay $0x2  }
0x5e: {  	s22 =	simm.s32 $0x0;
	p1 =	por $0x0, $0x0  }
.LBB2_11:
0x5f: {  	s25 =	smov.u32 s29  }
.LBB2_15:
0x60: {  	s8 =	sshll.u32 @p2 s9, $0x3  }
0x61: {  	v8 =	vnsel vm2, $0x80000000, v9;
	s8 =	sand.u32 @p2 $0x1FFFFFF8, s8  }
0x62: {  	[tilespmem:s25+$0x30] =	vst @p2 v11;
	(xrf0) =	vmax.scan.msk.u32 $0xffff, v8;
	s8 =	sadd.s32 @p2 s4, s8  }
0x63: {  	[hbm4b:s8+s5] =	stream.linear.scatter @p2 [tilespmem:s25], [sflag:s23], $0x40, $0x38;
	[tilespmem:$0x17100] =	vst v63  }
0x64: {  	v8 =	vld.idx.msk [tilespmem:v10+s26+$0x0], $0xffff  }
0x65: {  	v60 =	vadd.s32 s28, v5;
	_ =	sdelay $0x1  }
0x66: {  	s8 =	sadd.s32 @p2 $0x80, s25  }
0x67: {  	s29 =	smov.u32 @p2 s8;
	v61, _, _ =	vpop (xrf0)  }
0x68: {  	(v2sf) =	vpush v61, $0xF;
	[tilespmem:s29+$0x0] =	vst v8  }
0x69: {  	v8 =	vld.idx.msk [tilespmem:v60+s26+$0x0], $0xffff  }
0x6a: {  	v62 =	vadd.s32 s28, v6;
	_ =	sdelay $0x3  }
0x6b: {  	[tilespmem:s29+$0x10] =	vst v8  }
0x6c: {  	v8 =	vld.idx.msk [tilespmem:v62+s26+$0x0], $0xffff  }
0x6d: {  	v63 =	vadd.s32 s28, v7;
	_ =	sdelay $0x3  }
0x6e: {  	[tilespmem:s29+$0x20] =	vst v8  }
0x6f: {  	v8 =	vld.idx.msk [tilespmem:v63+s26+$0x0], $0xffff;
	_ =	sdelay $0x1  }
0x70: {  	s28 =	spop (v2sf)  }
0x71: {  	s8 =	sshll.u32 s28, $0x3  }
0x72: {  	s8 =	sand.u32 $0x1FFFFFF8, s8  }
0x73: {  	s8 =	sadd.s32 s4, s8;
	[tilespmem:s29+$0x30] =	vst v8  }
0x74: {  	[hbm4b:s8+s5] =	stream.linear.scatter [tilespmem:s29], [sflag:s23], $0x40, $0x38;
	[tilespmem:$0x17100] =	vst v63  }
.LBB2_16:
0x75: {  	s22 =	sadd.s32 $0x1, s22  }
0x76: {  	p2 =	slt.s32 s22, s7  }
.Ltmp5:
0x77: {  	_ = 	snop;
	(pc) =	sbr.rel @!p2 .LBB2_17-.Ltmp5, $2  }
0x78: {  	_ =	sdelay $0x2  }
0x79: {  	p1 =	por !p1, !p1  }
.LBB2_5:
0x7a: {  	s8 =	sadd.s32 $0x7, s22  }
0x7b: {  	s9 =	sand.u32 $0x7FFFFFF0, s8  }
0x7c: {  	v8 =	vld [tilespmem:s9+$0x6000];
	_ =	sdelay $0x2  }
0x7d: {  	s24 =	sand.u32 $0xF, s8  }
0x7e: {  	v9 =	vmov s24  }
0x7f: {  	vm2 =	veq.s32 v9, v0;
	v8 =	vxor.u32 $0x80000000, v8  }
0x80: {  	v8 =	vnsel vm2, $0x80000000, v8  }
0x81: {  	(xrf0) =	vmax.scan.msk.u32 $0xffff, v8;
	_ =	sdelay $0x5  }
0x82: {  	v8, _, _ =	vpop (xrf0)  }
0x83: {  	(v2sf) =	vpush v8, $0xF;
	_ =	sdelay $0xe  }
0x84: {  	p2 =	sge.s32 s8, s7;
	s9 =	spop (v2sf)  }
0x85: {  	p3 =	slt.u32 @!p2 s9, $0x80000001  }
0x86: {  	p2 =	por p3, p2  }
0x87: {  	s9 =	sand.u32 @!p2 $0x7, s8;
	s8 =	sadd.s32 @!p2 s6, s8  }
0x88: {  	s25 =	simm.s32 @!p2 $0x7A1400;
	s8 =	sshll.u32 @!p2 s8, $0x7  }
0x89: {  	s24 =	simm.s32 @!p2 $0x400;
	s23 =	sshll.u32 @!p2 s9, $0xD;
	s8 =	sand.u32 @!p2 $0x1FFFFF80, s8  }
0x8a: {  	s9 =	sadd.s32 @!p2 $0x1, s9;
	s23 =	sadd.s32 @!p2 $0x6100, s23;
	s8 =	sadd.s32 @!p2 s3, s8  }
0x8b: {  	[tilespmem:s23], [sflag:s9] =	stream.strided.gather @!p2 [hbm4b:s8+s24], $0x2000, s25, s24, $0x38;
	[tilespmem:$0x17100] =	vst v63  }
0x8c: {  	s25 =	sand.u32 $0x7FFFFFF0, s22  }
0x8d: {  	v8 =	vld [tilespmem:s25+$0x6000];
	_ =	sdelay $0x2  }
0x8e: {  	s26 =	sand.u32 $0xF, s22  }
0x8f: {  	v63 =	vmov s26  }
0x90: {  	vm2 =	veq.s32 v63, v0;
	v8 =	vxor.u32 $0x80000000, v8  }
0x91: {  	v8 =	vnsel vm2, $0x80000000, v8  }
0x92: {  	(xrf0) =	vmax.scan.msk.u32 $0xffff, v8;
	_ =	sdelay $0x5  }
0x93: {  	v8, _, _ =	vpop (xrf0)  }
0x94: {  	(v2sf) =	vpush v8, $0xF;
	_ =	sdelay $0xe  }
0x95: {  	s28 =	spop (v2sf)  }
0x96: {  	p2 =	slt.u32 s22, $0x7;
	s24 =	sxor.u32 $0x80000000, s28  }
0x97: {  	p3 =	slt.s32 @!p2 s24, $0x1  }
0x98: {  	p3 =	por p2, !p3  }
0x99: {  	s8 =	sand.u32 @p3 $0x7, s22  }
0x9a: {  	p2 =	slt.u32 @p3 s22, $0x2;
	s8 =	sadd.s32 @p3 $0x1, s8  }
0x9b: {  	p2 =	por !p3, !p2;
	_ =	swait.ge @p3 [sflag:s8], $0x2000  }
0x9c: {  	s9 =	sadd.s32 @p2 $0xFFFFFFFE, s22;
	[sflag:s8] =	ssyncset.done @p3 $0x0  }
0x9d: {  	[sflag:s8] =	ssyncadd.s32 @p3 $0xFFFFE000;
	s8 =	sand.u32 @p2 $0xFFFFFFF0, s9  }
0x9e: {  	v8 =	vld @p2 [tilespmem:s8+$0x6000];
	_ =	sdelay $0x2  }
0x9f: {  	s8 =	sand.u32 @p2 $0xF, s9  }
0xa0: {  	v10 =	vlaneseq.u32 @p2;
	v9 =	vmov @p2 s8  }
0xa1: {  	vm2 =	veq.s32 @p2 v9, v10;
	v8 =	vxor.u32 @p2 $0x80000000, v8  }
0xa2: {  	v8 =	vnsel @p2 vm2, $0x80000000, v8  }
0xa3: {  	(xrf0) =	vmax.scan.msk.u32 @p2 $0xffff, v8;
	_ =	sdelay $0x5  }
0xa4: {  	v8, _, _ =	vpop @p2 (xrf0)  }
0xa5: {  	(v2sf) =	vpush @p2 v8, $0xF;
	_ =	sdelay $0xe  }
0xa6: {  	s8 =	spop @p2 (v2sf)  }
0xa7: {  	s8 =	sxor.u32 @p2 $0x80000000, s8  }
0xa8: {  	p3 =	slt.s32 @p2 s8, $0x1  }
0xa9: {  	p2 =	por !p2, p3  }
.Ltmp6:
0xaa: {  	_ = 	snop;
	(pc) =	sbr.rel @p2 .LBB2_9-.Ltmp6, $3  }
0xab: {  	_ =	sdelay $0x1  }
0xac: {  	s29 =	sand.u32 $0x1, s22  }
0xad: {  	s23 =	sadd.s32 $0x9, s29  }
0xae: {  	p2 =	sne.s32 s8, $0x1  }
.Ltmp7:
0xaf: {  	_ = 	snop;
	(pc) =	sbr.rel @!p2 .LBB2_8-.Ltmp7, $3  }
0xb0: {  	_ =	sdelay $0x1  }
0xb1: {  	_ =	swait.ge [sflag:s23], $0x40  }
0xb2: {  	s8 =	sadd.s32 $0xFFFFFFFF, s8;
	[sflag:s23] =	ssyncset.done $0x0  }
.LBB2_7:
0xb3: {  	p2 =	sne.s32 s8, $0x1;
	s8 =	sadd.s32 $0xFFFFFFFF, s8;
	[sflag:s23] =	ssyncadd.s32 $0xFFFFFFC0  }
.Ltmp8:
0xb4: {  	(pc) =	sbr.rel @p2 .LBB2_7-.Ltmp8, $3  }
0xb5: {  	_ =	sdelay $0x1  }
0xb6: {  	_ =	swait.ge [sflag:s23], $0x40  }
0xb7: {  	[sflag:s23] =	ssyncset.done $0x0  }
.LBB2_8:
0xb8: {  	[sflag:s23] =	ssyncadd.s32 $0xFFFFFFC0  }
.LBB2_9:
0xb9: {  	p2 =	slt.s32 s24, $0x1  }
.Ltmp9:
0xba: {  	_ = 	snop;
	(pc) =	sbr.rel @p2 .LBB2_16-.Ltmp9, $1  }
0xbb: {  	_ =	sdelay $0x3  }
0xbc: {  	s8 =	sshll.u32 s22, $0x4  }
0xbd: {  	v8 =	vld [tilespmem:s8+$0x4000];
	_ =	sdelay $0x3  }
0xbe: {  	s9 =	simm.s32 $0x0  }
0xbf: {  	v9 =	vmov s9;
	v8 =	vand.u32 $0x7F, v8  }
0xc0: {  	vm2 =	veq.s32 v9, v0;
	v8 =	vor.u32 $0x80000000, v8  }
0xc1: {  	v9 =	vnsel vm2, $0x80000000, v8  }
0xc2: {  	(xrf0) =	vmax.scan.msk.u32 $0xffff, v9;
	_ =	sdelay $0x5  }
0xc3: {  	v9, _, _ =	vpop (xrf0)  }
0xc4: {  	(v2sf) =	vpush v9, $0xF;
	_ =	sdelay $0xb  }
0xc5: {  	p3 =	sne.s32 s24, $0x1;
	v9 =	vld [tilespmem:s8+$0x5000]  }
.Ltmp10:
0xc6: {  	_ = 	snop;
	(pc) =	sbr.rel @!p3 .LBB2_11-.Ltmp10, $4  }
0xc7: {  	s25 =	sshll.u32 s22, $0xD;
	s9 =	simm.s32 $0x1  }
0xc8: {  	p2 =	por $0x0, $0x0;
	s9 =	simm.s32 @!p1 $0x0;
	s26 =	spop (v2sf)  }
0xc9: {  	s9 =	sshll.u32 s9, $0xB;
	s8 =	sand.u32 $0xE000, s25;
	s28 =	sxor.u32 $0x80000000, s26  }
0xca: {  	s29 =	sor.u32 $0x16100, s9;
	vm2 =	vmmov vm2;
	v9 =	vxor.u32 $0x80000000, v9;
	s26 =	sadd.s32 $0x6100, s8;
	s8 =	simm.s32 $0x1;
	v10 =	vadd.s32 s28, v2  }
0xcb: {  	v11 =	vmov s8  }
0xcc: {  	vm3 =	veq.s32 v11, v0  }
0xcd: {  	v11 =	vnsel vm3, $0x80000000, v8  }
0xce: {  	(xrf0) =	vmax.scan.msk.u32 $0xffff, v11  }
0xcf: {  	v11 =	vnsel vm2, $0x80000000, v9  }
0xd0: {  	(xrf0) =	vmax.scan.msk.u32 $0xffff, v11;
	_ =	sdelay $0x1  }
0xd1: {  	v10 =	vld.idx.msk [tilespmem:v10+s26+$0x0], $0xffff  }
0xd2: {  	v12 =	vadd.s32 s28, v5  }
0xd3: {  	v11, _, _ =	vpop (xrf0)  }
0xd4: {  	(v2sf) =	vpush v11, $0xF  }
0xd5: {  	v11, _, _ =	vpop (xrf0)  }
0xd6: {  	[tilespmem:s29+$0x0] =	vst v10;
	(v2sf) =	vpush v11, $0xF  }
0xd7: {  	v10 =	vld.idx.msk [tilespmem:v12+s26+$0x0], $0xffff  }
0xd8: {  	v11 =	vadd.s32 s28, v6;
	_ =	sdelay $0x3  }
0xd9: {  	[tilespmem:s29+$0x10] =	vst v10  }
0xda: {  	v10 =	vld.idx.msk [tilespmem:v11+s26+$0x0], $0xffff  }
0xdb: {  	v11 =	vadd.s32 s28, v7;
	_ =	sdelay $0x1  }
0xdc: {  	p3 =	sne.s32 s24, $0x2  }
.Ltmp11:
0xdd: {  	_ = 	snop;
	(pc) =	sbr.rel @!p3 .LBB2_13-.Ltmp11, $4  }
0xde: {  	[tilespmem:s29+$0x20] =	vst v10  }
0xdf: {  	v11 =	vld.idx.msk [tilespmem:v11+s26+$0x0], $0xffff;
	s25 =	spop (v2sf)  }
0xe0: {  	s8 =	simm.s32 $0x2;
	s28 =	sxor.u32 $0x80000000, s25  }
0xe1: {  	p2 =	por $0x1, $0x1;
	vm2 =	vmmov vm3;
	s9 =	spop (v2sf);
	s25 =	smov.u32 s29;
	v10 =	vadd.s32 s28, v2  }
.LBB2_14:
0xe2: {  	v12 =	vmov s8;
	s8 =	sadd.s32 $0x1, s8;
	s9 =	sshll.u32 s9, $0x3  }
0xe3: {  	vm3 =	veq.s32 v12, v0;
	p3 =	sne.s32 s24, s8;
	s9 =	sand.u32 $0x1FFFFFF8, s9  }
0xe4: {  	v12 =	vnsel vm3, $0x80000000, v8;
	s9 =	sadd.s32 s4, s9  }
0xe5: {  	(xrf0) =	vmax.scan.msk.u32 $0xffff, v12;
	[tilespmem:s25+$0x30] =	vst v11;
	[hbm4b:s9+s5] =	stream.linear.scatter [tilespmem:s25], [sflag:s23], $0x40, $0x38  }
0xe6: {  	v11 =	vnsel vm2, $0x80000000, v9;
	vm2 =	vmmov vm3;
	v10 =	vld.idx.msk [tilespmem:v10+s26+$0x0], $0xffff  }
0xe7: {  	(xrf0) =	vmax.scan.msk.u32 $0xffff, v11  }
0xe8: {  	v11 =	vadd.s32 s28, v5;
	_ =	sdelay $0x2  }
0xe9: {  	s25 =	sadd.s32 $0x80, s25;
	v12, _, _ =	vpop (xrf0)  }
0xea: {  	(v2sf) =	vpush v12, $0xF;
	[tilespmem:s25+$0x0] =	vst v10  }
0xeb: {  	v10 =	vld.idx.msk [tilespmem:v11+s26+$0x0], $0xffff;
	v11, _, _ =	vpop (xrf0)  }
0xec: {  	(v2sf) =	vpush v11, $0xF  }
0xed: {  	v11 =	vadd.s32 s28, v6;
	_ =	sdelay $0x3  }
0xee: {  	[tilespmem:s25+$0x10] =	vst v10  }
0xef: {  	v10 =	vld.idx.msk [tilespmem:v11+s26+$0x0], $0xffff;
	_ =	sdelay $0x1  }
0xf0: {  	v11 =	vadd.s32 s28, v7;
	_ =	sdelay $0x2  }
.Ltmp12:
0xf1: {  	(pc) =	sbr.rel @p3 .LBB2_14-.Ltmp12, $4  }
0xf2: {  	[tilespmem:s25+$0x20] =	vst v10  }
0xf3: {  	s9 =	spop (v2sf);
	v11 =	vld.idx.msk [tilespmem:v11+s26+$0x0], $0xffff  }
0xf4: {  	s28 =	sxor.u32 $0x80000000, s9  }
0xf5: {  	v10 =	vadd.s32 s28, v2;
	s9 =	spop (v2sf)  }
.Ltmp13:
0xf6: {  	_ = 	snop;
	(pc) =	sbr.rel .LBB2_15-.Ltmp13, $1  }
0xf7: {  	_ =	sdelay $0x3  }
.LBB2_13:
.Ltmp14:
0xf8: {  	(pc) =	sbr.rel .LBB2_15-.Ltmp14, $2  }
0xf9: {  	_ =	sdelay $0x2  }
0xfa: {  	s25 =	smov.u32 s29  }
.LBB2_17:
0xfb: {  	v8 =	vld [tilespmem:s15+$0x6000];
	_ =	sdelay $0x4  }
0xfc: {  	v8 =	vxor.u32 $0x80000000, v8  }
0xfd: {  	v8 =	vnsel vm0, $0x80000000, v8  }
0xfe: {  	(xrf0) =	vmax.scan.msk.u32 $0xffff, v8;
	_ =	sdelay $0x5  }
0xff: {  	v8, _, _ =	vpop (xrf0)  }
0x100: {  	(v2sf) =	vpush v8, $0xF;
	_ =	sdelay $0xe  }
0x101: {  	s8 =	spop (v2sf)  }
0x102: {  	s8 =	sxor.u32 $0x80000000, s8  }
0x103: {  	p1 =	slt.s32 s8, $0x1  }
.Ltmp15:
0x104: {  	_ = 	snop;
	(pc) =	sbr.rel @p1 .LBB2_21-.Ltmp15, $1  }
0x105: {  	_ =	sdelay $0x3  }
0x106: {  	p1 =	sne.s32 s8, $0x1  }
.Ltmp16:
0x107: {  	_ = 	snop;
	(pc) =	sbr.rel @!p1 .LBB2_20-.Ltmp16, $3  }
0x108: {  	_ =	sdelay $0x1  }
0x109: {  	_ =	swait.ge [sflag:s16], $0x40  }
0x10a: {  	s8 =	sadd.s32 $0xFFFFFFFF, s8;
	[sflag:s16] =	ssyncset.done $0x0  }
.LBB2_19:
0x10b: {  	p1 =	sne.s32 s8, $0x1;
	s8 =	sadd.s32 $0xFFFFFFFF, s8;
	[sflag:s16] =	ssyncadd.s32 $0xFFFFFFC0  }
.Ltmp17:
0x10c: {  	(pc) =	sbr.rel @p1 .LBB2_19-.Ltmp17, $3  }
0x10d: {  	_ =	sdelay $0x1  }
0x10e: {  	_ =	swait.ge [sflag:s16], $0x40  }
0x10f: {  	[sflag:s16] =	ssyncset.done $0x0  }
.LBB2_20:
0x110: {  	[sflag:s16] =	ssyncadd.s32 $0xFFFFFFC0  }
.LBB2_21:
0x111: {  	v8 =	vld [tilespmem:s17+$0x6000];
	_ =	sdelay $0x4  }
0x112: {  	v8 =	vxor.u32 $0x80000000, v8  }
0x113: {  	v8 =	vnsel vm1, $0x80000000, v8  }
0x114: {  	(xrf0) =	vmax.scan.msk.u32 $0xffff, v8;
	_ =	sdelay $0x5  }
0x115: {  	v8, _, _ =	vpop (xrf0)  }
0x116: {  	(v2sf) =	vpush v8, $0xF;
	_ =	sdelay $0xe  }
0x117: {  	s8 =	spop (v2sf)  }
0x118: {  	s8 =	sxor.u32 $0x80000000, s8  }
0x119: {  	p1 =	slt.s32 s8, $0x1  }
.Ltmp18:
0x11a: {  	_ = 	snop;
	(pc) =	sbr.rel @p1 .LBB2_25-.Ltmp18, $1  }
0x11b: {  	_ =	sdelay $0x3  }
0x11c: {  	p1 =	sne.s32 s8, $0x1  }
.Ltmp19:
0x11d: {  	_ = 	snop;
	(pc) =	sbr.rel @!p1 .LBB2_24-.Ltmp19, $3  }
0x11e: {  	_ =	sdelay $0x1  }
0x11f: {  	_ =	swait.ge [sflag:s18], $0x40  }
0x120: {  	s8 =	sadd.s32 $0xFFFFFFFF, s8;
	[sflag:s18] =	ssyncset.done $0x0  }
.LBB2_23:
0x121: {  	p1 =	sne.s32 s8, $0x1;
	s8 =	sadd.s32 $0xFFFFFFFF, s8;
	[sflag:s18] =	ssyncadd.s32 $0xFFFFFFC0  }
.Ltmp20:
0x122: {  	(pc) =	sbr.rel @p1 .LBB2_23-.Ltmp20, $3  }
0x123: {  	_ =	sdelay $0x1  }
0x124: {  	_ =	swait.ge [sflag:s18], $0x40  }
0x125: {  	[sflag:s18] =	ssyncset.done $0x0  }
.Ltmp21:
0x126: {  	_ = 	snop;
	(pc) =	sbr.rel .LBB2_24-.Ltmp21, $1  }
0x127: {  	_ =	sdelay $0x3  }
.LBB2_26:
0x128: {  	_ =	sfence.sel $0x180000  }
0x129: {  	[bflag:$0x0] =	sbarrier.arrive $0xFFFF  }
0x12a: {  	_ =	strace $0x90000047  }
0x12b: {  	s0 =	stileid.u32;
	[bflag:$0x2] =	sbarrier.arrive $0xFFFF  }
0x12c: {  	p0 =	sne.s32 s0, $0x0;
	s0 =	rddreg [dreg:$0x3]  }
0x12d: {  	s0 =	sadd.s32 @!p0 $0x100000, s0  }
0x12e: {  	[sflag:s0] =	ssyncadd.tile.s32 @!p0 $0x1;
	_ =	shalt  }
.Lfunc_end2:
_tile_overlayer_lowered:
.L_overlay_start_2:
0x12f: {  	(tag) =	ssettag $0x2  }
0x130: {  	s0 =	rddreg [dreg:$0x0];
	s2 =	stileid.u32  }
0x131: {  	s1 =	rddreg [dreg:$0x1];
	p0 =	sne.s32 s2, $0x0  }
0x132: {  	s3 =	rddreg [dreg:$0x2];
	[bflag:$0x3] =	sbarrier.arrive $0xFFFF;
	s2 =	simm.s32 @!p0 $0x1C0B  }
0x133: {  	[timem:s3], [sflag:s2] =	dma.local @!p0 [hbm:s0], s1  }
0x134: {  	s0 =	simm.s32 @!p0 $0xB  }
0x135: {  	_ =	swait.ge @!p0 [sflag:s0], s1  }
0x136: {  	s1 =	ssub.s32 @!p0 $0x0, s1;
	[sflag:s0] =	ssyncset.done @!p0 $0x0  }
0x137: {  	[sflag:s0] =	ssyncadd.s32 @!p0 s1  }
0x138: {  	[bflag:$0x3] =	sbarrier.arrive $0xFFFF  }
0x139: {  	_ =	shalt  }

</sc_bundles>
